<compile_context>
chip_gen: v7x
topology: tpu7x:2x2x1
jax: 0.10.2.dev20260603
libtpu: 0.0.44.dev20260713+nightly
codegen_flags: <defaults>
</compile_context>

<pallas_src>
import functools

import jax
import jax.numpy as jnp
from jax import lax
from jax.experimental import pallas as pl
from jax.experimental.pallas import tpu as pltpu
from jax.experimental.pallas import tpu_sc as plsc

_NUM_CORES = 2
_NUM_SUBCORES = 16


def _build_sc_update(B, H, Q, S, D):
    BH = B * H
    NW = _NUM_CORES * _NUM_SUBCORES
    HPW = BH // NW
    ROWS = HPW * Q
    out_rows = BH * Q

    mesh = plsc.VectorSubcoreMesh(core_axis_name="c", subcore_axis_name="s")

    @functools.partial(
        pl.kernel,
        out_type=[jax.ShapeDtypeStruct((out_rows, D), jnp.float32)] * 2,
        mesh=mesh,
        scratch_types=[
            pltpu.VMEM((Q,), jnp.int32),
            pltpu.VMEM((ROWS,), jnp.int32),
            pltpu.VMEM((ROWS, D), jnp.float32),
            pltpu.VMEM((ROWS, D), jnp.float32),
            pltpu.VMEM((Q, D), jnp.float32),
            pltpu.SemaphoreType.DMA,
            pltpu.SemaphoreType.DMA,
        ],
    )
    def run(kf, vf, pos, kc, vc, ko, vo,
            posb, gidx, kbuf, vbuf, cbuf, sem_k, sem_v):
        wid = lax.axis_index("s") * _NUM_CORES + lax.axis_index("c")
        head0 = wid * HPW
        row0 = head0 * Q

        cp_k = pltpu.async_copy(kf.at[pl.ds(row0, ROWS)], kbuf, sem_k)
        cp_v = pltpu.async_copy(vf.at[pl.ds(row0, ROWS)], vbuf, sem_v)

        pltpu.sync_copy(pos, posb)
        idx = posb[...]

        mask_bits = jnp.int32(0)
        for i in range(Q):
            p_i = idx[i]
            in_range = jnp.logical_and(p_i >= 0, p_i < Q)
            bit = jnp.where(in_range, jnp.int32(1) << p_i, jnp.int32(0))
            mask_bits = jnp.bitwise_or(mask_bits, bit)
        all_covered = mask_bits == jnp.int32((1 << Q) - 1)

        cidx = jnp.minimum(jnp.maximum(idx, 0), Q - 1)
        for h in range(HPW):
            gidx[pl.ds(h * Q, Q)] = (row0 + h * Q) + cidx

        @pl.when(jnp.logical_not(all_covered))
        def _fill_from_cache():
            for h in range(HPW):
                pltpu.sync_copy(kc.at[head0 + h, pl.ds(0, Q)], cbuf)
                pltpu.sync_copy(cbuf, ko.at[pl.ds(row0 + h * Q, Q)])
                pltpu.sync_copy(vc.at[head0 + h, pl.ds(0, Q)], cbuf)
                pltpu.sync_copy(cbuf, vo.at[pl.ds(row0 + h * Q, Q)])

        cp_k.wait()
        sc_k = pltpu.async_copy(kbuf, ko.at[gidx], sem_k)
        cp_v.wait()
        sc_v = pltpu.async_copy(vbuf, vo.at[gidx], sem_v)
        sc_k.wait()
        sc_v.wait()

    return run


def kernel(k, v, input_pos, k_cache, v_cache):
    B, H, Q, D = k.shape
    S = k_cache.shape[2]
    run = _build_sc_update(B, H, Q, S, D)
    kf = k.reshape(B * H * Q, D)
    vf = v.reshape(B * H * Q, D)
    kc = k_cache.reshape(B * H, S, D)
    vc = v_cache.reshape(B * H, S, D)
    ko, vo = run(kf, vf, input_pos, kc, vc)
    return (ko.reshape(B, H, Q, D), vo.reshape(B, H, Q, D))

# --- scband reference (transcript-rebuilt; emitter-appended) ---
"""Pipeline reference for scband-kvcache-53223234732057 (READ-ONLY COPY).

The authoritative reference and input builder live on the scoring server;
editing this copy changes nothing except your own understanding.
"""

import jax, jax.numpy as jnp
import numpy as np

B, H, S, D = 16, 8, 4096, 128
Q = 16

def setup_inputs(seed: int = 0) -> dict:
    key = jax.random.key(seed)
    k1, k2 = jax.random.split(key)
    k = jax.random.normal(k1, (B, H, Q, D), dtype=jnp.float32)
    v = jax.random.normal(k2, (B, H, Q, D), dtype=jnp.float32)
    input_pos = jnp.arange(Q, dtype=jnp.int32)
    # module buffers (state), initialized to zeros as in __init__
    k_cache = jnp.zeros((B, H, S, D), dtype=jnp.float32)
    v_cache = jnp.zeros((B, H, S, D), dtype=jnp.float32)
    return {"k": k, "v": v, "input_pos": input_pos, "k_cache": k_cache, "v_cache": v_cache}

def reference(k, v, input_pos, k_cache, v_cache):
    # torch index_copy_ along dim 2 -> scatter-overwrite at positions input_pos
    kc = k_cache.at[:, :, input_pos, :].set(k)
    vc = v_cache.at[:, :, input_pos, :].set(v)
    end = input_pos.shape[0]
    k_out = kc[:, :, :end, :]
    v_out = vc[:, :, :end, :]
    return (k_out, v_out)

if __name__ == "__main__":
    import jax
    _d = setup_inputs()
    print(jax.jit(kernel)(*tuple(_d.values())))

</pallas_src>

<mosaic_0001>
#map = affine_map<(d0, d1) -> (0, 0)>
#map1 = affine_map<(d0, d1) -> (0)>
#map2 = affine_map<(d0, d1) -> (0, 0, 0)>
module attributes {stable_mosaic.version = 14 : i64} {
  func.func @run(%arg0: i32, %arg1: i32, %arg2: memref<2048x128xf32, #tpu.memory_space<hbm>>, %arg3: memref<2048x128xf32, #tpu.memory_space<hbm>>, %arg4: memref<16xi32, #tpu.memory_space<hbm>>, %arg5: memref<128x4096x128xf32, #tpu.memory_space<hbm>>, %arg6: memref<128x4096x128xf32, #tpu.memory_space<hbm>>, %arg7: memref<2048x128xf32, #tpu.memory_space<hbm>>, %arg8: memref<2048x128xf32, #tpu.memory_space<hbm>>, %arg9: memref<16xi32, #tpu.memory_space<vmem>>, %arg10: memref<64xi32, #tpu.memory_space<vmem>>, %arg11: memref<64x128xf32, #tpu.memory_space<vmem>>, %arg12: memref<64x128xf32, #tpu.memory_space<vmem>>, %arg13: memref<16x128xf32, #tpu.memory_space<vmem>>, %arg14: memref<!tpu.dma_semaphore, #tpu.memory_space<semaphore_mem>>, %arg15: memref<!tpu.dma_semaphore, #tpu.memory_space<semaphore_mem>>) attributes {dimension_semantics = [#tpu.dimension_semantics<core_parallel>, #tpu.dimension_semantics<subcore_parallel>], iteration_bounds = array<i64: 2, 16>, scalar_prefetch = 0 : i64, scratch_operands = 7 : i64, tpu.core_type = #tpu.core_type<sc_vector_subcore>, window_params = [{transform_indices = #map}, {transform_indices = #map}, {transform_indices = #map1}, {transform_indices = #map2}, {transform_indices = #map2}, {transform_indices = #map}, {transform_indices = #map}]} {
    %mul3A = arith.constant 2 : i32
    %mul3A_0 = arith.muli %arg1, %mul3A : i32
    %add3A = arith.addi %mul3A_0, %arg0 : i32
    %mul3A_1 = arith.constant 4 : i32
    %mul3A_2 = arith.muli %add3A, %mul3A_1 : i32
    %mul3A_3 = arith.constant 16 : i32
    %mul3A_4 = arith.muli %mul3A_2, %mul3A_3 : i32
    %dma_start3A = arith.constant 0 : i32
    %dma_start3A_5 = tpu.memref_slice %arg2[%mul3A_4, %dma_start3A] : memref<2048x128xf32, #tpu.memory_space<hbm>> -> memref<64x128xf32, #tpu.memory_space<hbm>>
    %dma_start3A_6 = arith.constant 0 : i32
    %dma_start3A_7 = tpu.memref_slice %arg2[%mul3A_4, %dma_start3A_6] : memref<2048x128xf32, #tpu.memory_space<hbm>> -> memref<64x128xf32, #tpu.memory_space<hbm>>
    tpu.enqueue_dma source(%dma_start3A_7 : memref<64x128xf32, #tpu.memory_space<hbm>>) target(%arg11 : memref<64x128xf32, #tpu.memory_space<vmem>>) target_semaphore(%arg14 : memref<!tpu.dma_semaphore, #tpu.memory_space<semaphore_mem>>)
    %dma_start3A_8 = arith.constant 0 : i32
    %dma_start3A_9 = tpu.memref_slice %arg3[%mul3A_4, %dma_start3A_8] : memref<2048x128xf32, #tpu.memory_space<hbm>> -> memref<64x128xf32, #tpu.memory_space<hbm>>
    %dma_start3A_10 = arith.constant 0 : i32
    %dma_start3A_11 = tpu.memref_slice %arg3[%mul3A_4, %dma_start3A_10] : memref<2048x128xf32, #tpu.memory_space<hbm>> -> memref<64x128xf32, #tpu.memory_space<hbm>>
    tpu.enqueue_dma source(%dma_start3A_11 : memref<64x128xf32, #tpu.memory_space<hbm>>) target(%arg12 : memref<64x128xf32, #tpu.memory_space<vmem>>) target_semaphore(%arg15 : memref<!tpu.dma_semaphore, #tpu.memory_space<semaphore_mem>>)
    "tpu.region"() ({
      %run_scoped3A = tpu.sem_alloc : memref<!tpu.dma_semaphore, #tpu.memory_space<semaphore_mem>>
      tpu.enqueue_dma source(%arg4 : memref<16xi32, #tpu.memory_space<hbm>>) target(%arg9 : memref<16xi32, #tpu.memory_space<vmem>>) target_semaphore(%run_scoped3A : memref<!tpu.dma_semaphore, #tpu.memory_space<semaphore_mem>>)
      tpu.wait_dma2 semaphore(%run_scoped3A : memref<!tpu.dma_semaphore, #tpu.memory_space<semaphore_mem>>) src(%arg4 : memref<16xi32, #tpu.memory_space<hbm>>) dst(%arg9 : memref<16xi32, #tpu.memory_space<vmem>>)
      tpu.yield
    }) : () -> ()
    %get3A = arith.constant 0 : index
    %get3A_12 = tpu.vector_load %arg9[%get3A] {strides = array<i32>} : memref<16xi32, #tpu.memory_space<vmem>>, vector<16xi32>,
    %get3A_13 = vector.shape_cast %get3A_12 : vector<16xi32> to vector<16xi32>
    %slice3A = vector.extract_strided_slice %get3A_13 {offsets = [0], sizes = [1], strides = [1]} : vector<16xi32> to vector<1xi32>
    %squeeze3A = vector.extract %slice3A[0] : i32 from vector<1xi32>
    %ge3A = arith.constant 0 : i32
    %ge3A_14 = arith.cmpi sge, %squeeze3A, %ge3A : i32
    %lt3A = arith.constant 16 : i32
    %lt3A_15 = arith.cmpi slt, %squeeze3A, %lt3A : i32
    %and3A = arith.andi %ge3A_14, %lt3A_15 : i1
    %shift_left3A = arith.constant 1 : i32
    %shift_left3A_16 = arith.shli %shift_left3A, %squeeze3A : i32
    %jit3A = arith.constant 0 : i32
    %select_n3A = arith.select %and3A, %shift_left3A_16, %jit3A : i32
    %or3A = arith.constant 0 : i32
    %or3A_17 = arith.ori %or3A, %select_n3A : i32
    %slice3A_18 = vector.extract_strided_slice %get3A_13 {offsets = [1], sizes = [1], strides = [1]} : vector<16xi32> to vector<1xi32>
    %squeeze3A_19 = vector.extract %slice3A_18[0] : i32 from vector<1xi32>
    %ge3A_20 = arith.constant 0 : i32
    %ge3A_21 = arith.cmpi sge, %squeeze3A_19, %ge3A_20 : i32
    %lt3A_22 = arith.constant 16 : i32
    %lt3A_23 = arith.cmpi slt, %squeeze3A_19, %lt3A_22 : i32
    %and3A_24 = arith.andi %ge3A_21, %lt3A_23 : i1
    %shift_left3A_25 = arith.constant 1 : i32
    %shift_left3A_26 = arith.shli %shift_left3A_25, %squeeze3A_19 : i32
    %jit3A_27 = arith.constant 0 : i32
    %select_n3A_28 = arith.select %and3A_24, %shift_left3A_26, %jit3A_27 : i32
    %or3A_29 = arith.ori %or3A_17, %select_n3A_28 : i32
    %slice3A_30 = vector.extract_strided_slice %get3A_13 {offsets = [2], sizes = [1], strides = [1]} : vector<16xi32> to vector<1xi32>
    %squeeze3A_31 = vector.extract %slice3A_30[0] : i32 from vector<1xi32>
    %ge3A_32 = arith.constant 0 : i32
    %ge3A_33 = arith.cmpi sge, %squeeze3A_31, %ge3A_32 : i32
    %lt3A_34 = arith.constant 16 : i32
    %lt3A_35 = arith.cmpi slt, %squeeze3A_31, %lt3A_34 : i32
    %and3A_36 = arith.andi %ge3A_33, %lt3A_35 : i1
    %shift_left3A_37 = arith.constant 1 : i32
    %shift_left3A_38 = arith.shli %shift_left3A_37, %squeeze3A_31 : i32
    %jit3A_39 = arith.constant 0 : i32
    %select_n3A_40 = arith.select %and3A_36, %shift_left3A_38, %jit3A_39 : i32
    %or3A_41 = arith.ori %or3A_29, %select_n3A_40 : i32
    %slice3A_42 = vector.extract_strided_slice %get3A_13 {offsets = [3], sizes = [1], strides = [1]} : vector<16xi32> to vector<1xi32>
    %squeeze3A_43 = vector.extract %slice3A_42[0] : i32 from vector<1xi32>
    %ge3A_44 = arith.constant 0 : i32
    %ge3A_45 = arith.cmpi sge, %squeeze3A_43, %ge3A_44 : i32
    %lt3A_46 = arith.constant 16 : i32
    %lt3A_47 = arith.cmpi slt, %squeeze3A_43, %lt3A_46 : i32
    %and3A_48 = arith.andi %ge3A_45, %lt3A_47 : i1
    %shift_left3A_49 = arith.constant 1 : i32
    %shift_left3A_50 = arith.shli %shift_left3A_49, %squeeze3A_43 : i32
    %jit3A_51 = arith.constant 0 : i32
    %select_n3A_52 = arith.select %and3A_48, %shift_left3A_50, %jit3A_51 : i32
    %or3A_53 = arith.ori %or3A_41, %select_n3A_52 : i32
    %slice3A_54 = vector.extract_strided_slice %get3A_13 {offsets = [4], sizes = [1], strides = [1]} : vector<16xi32> to vector<1xi32>
    %squeeze3A_55 = vector.extract %slice3A_54[0] : i32 from vector<1xi32>
    %ge3A_56 = arith.constant 0 : i32
    %ge3A_57 = arith.cmpi sge, %squeeze3A_55, %ge3A_56 : i32
    %lt3A_58 = arith.constant 16 : i32
    %lt3A_59 = arith.cmpi slt, %squeeze3A_55, %lt3A_58 : i32
    %and3A_60 = arith.andi %ge3A_57, %lt3A_59 : i1
    %shift_left3A_61 = arith.constant 1 : i32
    %shift_left3A_62 = arith.shli %shift_left3A_61, %squeeze3A_55 : i32
    %jit3A_63 = arith.constant 0 : i32
    %select_n3A_64 = arith.select %and3A_60, %shift_left3A_62, %jit3A_63 : i32
    %or3A_65 = arith.ori %or3A_53, %select_n3A_64 : i32
    %slice3A_66 = vector.extract_strided_slice %get3A_13 {offsets = [5], sizes = [1], strides = [1]} : vector<16xi32> to vector<1xi32>
    %squeeze3A_67 = vector.extract %slice3A_66[0] : i32 from vector<1xi32>
    %ge3A_68 = arith.constant 0 : i32
    %ge3A_69 = arith.cmpi sge, %squeeze3A_67, %ge3A_68 : i32
    %lt3A_70 = arith.constant 16 : i32
    %lt3A_71 = arith.cmpi slt, %squeeze3A_67, %lt3A_70 : i32
    %and3A_72 = arith.andi %ge3A_69, %lt3A_71 : i1
    %shift_left3A_73 = arith.constant 1 : i32
    %shift_left3A_74 = arith.shli %shift_left3A_73, %squeeze3A_67 : i32
    %jit3A_75 = arith.constant 0 : i32
    %select_n3A_76 = arith.select %and3A_72, %shift_left3A_74, %jit3A_75 : i32
    %or3A_77 = arith.ori %or3A_65, %select_n3A_76 : i32
    %slice3A_78 = vector.extract_strided_slice %get3A_13 {offsets = [6], sizes = [1], strides = [1]} : vector<16xi32> to vector<1xi32>
    %squeeze3A_79 = vector.extract %slice3A_78[0] : i32 from vector<1xi32>
    %ge3A_80 = arith.constant 0 : i32
    %ge3A_81 = arith.cmpi sge, %squeeze3A_79, %ge3A_80 : i32
    %lt3A_82 = arith.constant 16 : i32
    %lt3A_83 = arith.cmpi slt, %squeeze3A_79, %lt3A_82 : i32
    %and3A_84 = arith.andi %ge3A_81, %lt3A_83 : i1
    %shift_left3A_85 = arith.constant 1 : i32
    %shift_left3A_86 = arith.shli %shift_left3A_85, %squeeze3A_79 : i32
    %jit3A_87 = arith.constant 0 : i32
    %select_n3A_88 = arith.select %and3A_84, %shift_left3A_86, %jit3A_87 : i32
    %or3A_89 = arith.ori %or3A_77, %select_n3A_88 : i32
    %slice3A_90 = vector.extract_strided_slice %get3A_13 {offsets = [7], sizes = [1], strides = [1]} : vector<16xi32> to vector<1xi32>
    %squeeze3A_91 = vector.extract %slice3A_90[0] : i32 from vector<1xi32>
    %ge3A_92 = arith.constant 0 : i32
    %ge3A_93 = arith.cmpi sge, %squeeze3A_91, %ge3A_92 : i32
    %lt3A_94 = arith.constant 16 : i32
    %lt3A_95 = arith.cmpi slt, %squeeze3A_91, %lt3A_94 : i32
    %and3A_96 = arith.andi %ge3A_93, %lt3A_95 : i1
    %shift_left3A_97 = arith.constant 1 : i32
    %shift_left3A_98 = arith.shli %shift_left3A_97, %squeeze3A_91 : i32
    %jit3A_99 = arith.constant 0 : i32
    %select_n3A_100 = arith.select %and3A_96, %shift_left3A_98, %jit3A_99 : i32
    %or3A_101 = arith.ori %or3A_89, %select_n3A_100 : i32
    %slice3A_102 = vector.extract_strided_slice %get3A_13 {offsets = [8], sizes = [1], strides = [1]} : vector<16xi32> to vector<1xi32>
    %squeeze3A_103 = vector.extract %slice3A_102[0] : i32 from vector<1xi32>
    %ge3A_104 = arith.constant 0 : i32
    %ge3A_105 = arith.cmpi sge, %squeeze3A_103, %ge3A_104 : i32
    %lt3A_106 = arith.constant 16 : i32
    %lt3A_107 = arith.cmpi slt, %squeeze3A_103, %lt3A_106 : i32
    %and3A_108 = arith.andi %ge3A_105, %lt3A_107 : i1
    %shift_left3A_109 = arith.constant 1 : i32
    %shift_left3A_110 = arith.shli %shift_left3A_109, %squeeze3A_103 : i32
    %jit3A_111 = arith.constant 0 : i32
    %select_n3A_112 = arith.select %and3A_108, %shift_left3A_110, %jit3A_111 : i32
    %or3A_113 = arith.ori %or3A_101, %select_n3A_112 : i32
    %slice3A_114 = vector.extract_strided_slice %get3A_13 {offsets = [9], sizes = [1], strides = [1]} : vector<16xi32> to vector<1xi32>
    %squeeze3A_115 = vector.extract %slice3A_114[0] : i32 from vector<1xi32>
    %ge3A_116 = arith.constant 0 : i32
    %ge3A_117 = arith.cmpi sge, %squeeze3A_115, %ge3A_116 : i32
    %lt3A_118 = arith.constant 16 : i32
    %lt3A_119 = arith.cmpi slt, %squeeze3A_115, %lt3A_118 : i32
    %and3A_120 = arith.andi %ge3A_117, %lt3A_119 : i1
    %shift_left3A_121 = arith.constant 1 : i32
    %shift_left3A_122 = arith.shli %shift_left3A_121, %squeeze3A_115 : i32
    %jit3A_123 = arith.constant 0 : i32
    %select_n3A_124 = arith.select %and3A_120, %shift_left3A_122, %jit3A_123 : i32
    %or3A_125 = arith.ori %or3A_113, %select_n3A_124 : i32
    %slice3A_126 = vector.extract_strided_slice %get3A_13 {offsets = [10], sizes = [1], strides = [1]} : vector<16xi32> to vector<1xi32>
    %squeeze3A_127 = vector.extract %slice3A_126[0] : i32 from vector<1xi32>
    %ge3A_128 = arith.constant 0 : i32
    %ge3A_129 = arith.cmpi sge, %squeeze3A_127, %ge3A_128 : i32
    %lt3A_130 = arith.constant 16 : i32
    %lt3A_131 = arith.cmpi slt, %squeeze3A_127, %lt3A_130 : i32
    %and3A_132 = arith.andi %ge3A_129, %lt3A_131 : i1
    %shift_left3A_133 = arith.constant 1 : i32
    %shift_left3A_134 = arith.shli %shift_left3A_133, %squeeze3A_127 : i32
    %jit3A_135 = arith.constant 0 : i32
    %select_n3A_136 = arith.select %and3A_132, %shift_left3A_134, %jit3A_135 : i32
    %or3A_137 = arith.ori %or3A_125, %select_n3A_136 : i32
    %slice3A_138 = vector.extract_strided_slice %get3A_13 {offsets = [11], sizes = [1], strides = [1]} : vector<16xi32> to vector<1xi32>
    %squeeze3A_139 = vector.extract %slice3A_138[0] : i32 from vector<1xi32>
    %ge3A_140 = arith.constant 0 : i32
    %ge3A_141 = arith.cmpi sge, %squeeze3A_139, %ge3A_140 : i32
    %lt3A_142 = arith.constant 16 : i32
    %lt3A_143 = arith.cmpi slt, %squeeze3A_139, %lt3A_142 : i32
    %and3A_144 = arith.andi %ge3A_141, %lt3A_143 : i1
    %shift_left3A_145 = arith.constant 1 : i32
    %shift_left3A_146 = arith.shli %shift_left3A_145, %squeeze3A_139 : i32
    %jit3A_147 = arith.constant 0 : i32
    %select_n3A_148 = arith.select %and3A_144, %shift_left3A_146, %jit3A_147 : i32
    %or3A_149 = arith.ori %or3A_137, %select_n3A_148 : i32
    %slice3A_150 = vector.extract_strided_slice %get3A_13 {offsets = [12], sizes = [1], strides = [1]} : vector<16xi32> to vector<1xi32>
    %squeeze3A_151 = vector.extract %slice3A_150[0] : i32 from vector<1xi32>
    %ge3A_152 = arith.constant 0 : i32
    %ge3A_153 = arith.cmpi sge, %squeeze3A_151, %ge3A_152 : i32
    %lt3A_154 = arith.constant 16 : i32
    %lt3A_155 = arith.cmpi slt, %squeeze3A_151, %lt3A_154 : i32
    %and3A_156 = arith.andi %ge3A_153, %lt3A_155 : i1
    %shift_left3A_157 = arith.constant 1 : i32
    %shift_left3A_158 = arith.shli %shift_left3A_157, %squeeze3A_151 : i32
    %jit3A_159 = arith.constant 0 : i32
    %select_n3A_160 = arith.select %and3A_156, %shift_left3A_158, %jit3A_159 : i32
    %or3A_161 = arith.ori %or3A_149, %select_n3A_160 : i32
    %slice3A_162 = vector.extract_strided_slice %get3A_13 {offsets = [13], sizes = [1], strides = [1]} : vector<16xi32> to vector<1xi32>
    %squeeze3A_163 = vector.extract %slice3A_162[0] : i32 from vector<1xi32>
    %ge3A_164 = arith.constant 0 : i32
    %ge3A_165 = arith.cmpi sge, %squeeze3A_163, %ge3A_164 : i32
    %lt3A_166 = arith.constant 16 : i32
    %lt3A_167 = arith.cmpi slt, %squeeze3A_163, %lt3A_166 : i32
    %and3A_168 = arith.andi %ge3A_165, %lt3A_167 : i1
    %shift_left3A_169 = arith.constant 1 : i32
    %shift_left3A_170 = arith.shli %shift_left3A_169, %squeeze3A_163 : i32
    %jit3A_171 = arith.constant 0 : i32
    %select_n3A_172 = arith.select %and3A_168, %shift_left3A_170, %jit3A_171 : i32
    %or3A_173 = arith.ori %or3A_161, %select_n3A_172 : i32
    %slice3A_174 = vector.extract_strided_slice %get3A_13 {offsets = [14], sizes = [1], strides = [1]} : vector<16xi32> to vector<1xi32>
    %squeeze3A_175 = vector.extract %slice3A_174[0] : i32 from vector<1xi32>
    %ge3A_176 = arith.constant 0 : i32
    %ge3A_177 = arith.cmpi sge, %squeeze3A_175, %ge3A_176 : i32
    %lt3A_178 = arith.constant 16 : i32
    %lt3A_179 = arith.cmpi slt, %squeeze3A_175, %lt3A_178 : i32
    %and3A_180 = arith.andi %ge3A_177, %lt3A_179 : i1
    %shift_left3A_181 = arith.constant 1 : i32
    %shift_left3A_182 = arith.shli %shift_left3A_181, %squeeze3A_175 : i32
    %jit3A_183 = arith.constant 0 : i32
    %select_n3A_184 = arith.select %and3A_180, %shift_left3A_182, %jit3A_183 : i32
    %or3A_185 = arith.ori %or3A_173, %select_n3A_184 : i32
    %slice3A_186 = vector.extract_strided_slice %get3A_13 {offsets = [15], sizes = [1], strides = [1]} : vector<16xi32> to vector<1xi32>
    %squeeze3A_187 = vector.extract %slice3A_186[0] : i32 from vector<1xi32>
    %ge3A_188 = arith.constant 0 : i32
    %ge3A_189 = arith.cmpi sge, %squeeze3A_187, %ge3A_188 : i32
    %lt3A_190 = arith.constant 16 : i32
    %lt3A_191 = arith.cmpi slt, %squeeze3A_187, %lt3A_190 : i32
    %and3A_192 = arith.andi %ge3A_189, %lt3A_191 : i1
    %shift_left3A_193 = arith.constant 1 : i32
    %shift_left3A_194 = arith.shli %shift_left3A_193, %squeeze3A_187 : i32
    %jit3A_195 = arith.constant 0 : i32
    %select_n3A_196 = arith.select %and3A_192, %shift_left3A_194, %jit3A_195 : i32
    %or3A_197 = arith.ori %or3A_185, %select_n3A_196 : i32
    %eq3A = arith.constant 65535 : i32
    %eq3A_198 = arith.cmpi eq, %or3A_197, %eq3A : i32
    %max3A = arith.constant 0 : i32
    %max3A_199 = vector.broadcast %max3A : i32 to vector<16xi32>
    %max3A_200 = arith.maxsi %get3A_13, %max3A_199 : vector<16xi32>
    %min3A = arith.constant 15 : i32
    %min3A_201 = vector.broadcast %min3A : i32 to vector<16xi32>
    %min3A_202 = arith.minsi %max3A_200, %min3A_201 : vector<16xi32>
    %add3A_203 = arith.constant 0 : i32
    %add3A_204 = arith.addi %mul3A_4, %add3A_203 : i32
    %add3A_205 = vector.broadcast %add3A_204 : i32 to vector<16xi32>
    %add3A_206 = arith.addi %add3A_205, %min3A_202 : vector<16xi32>
    %swap3A = arith.constant 0 : index
    %swap3A_207 = tpu.vector_load %arg10[%swap3A] {strides = array<i32>} : memref<64xi32, #tpu.memory_space<vmem>>, vector<16xi32>,
    %swap3A_208 = vector.shape_cast %swap3A_207 : vector<16xi32> to vector<16xi32>
    %swap3A_209 = vector.shape_cast %add3A_206 : vector<16xi32> to vector<16xi32>
    tpu.vector_store %arg10[%swap3A], %swap3A_209 {strides = array<i32>} : memref<64xi32, #tpu.memory_space<vmem>>, vector<16xi32>,
    %add3A_210 = arith.constant 16 : i32
    %add3A_211 = arith.addi %mul3A_4, %add3A_210 : i32
    %add3A_212 = vector.broadcast %add3A_211 : i32 to vector<16xi32>
    %add3A_213 = arith.addi %add3A_212, %min3A_202 : vector<16xi32>
    %swap3A_214 = arith.constant 16 : index
    %swap3A_215 = tpu.vector_load %arg10[%swap3A_214] {strides = array<i32>} : memref<64xi32, #tpu.memory_space<vmem>>, vector<16xi32>,
    %swap3A_216 = vector.shape_cast %swap3A_215 : vector<16xi32> to vector<16xi32>
    %swap3A_217 = vector.shape_cast %add3A_213 : vector<16xi32> to vector<16xi32>
    tpu.vector_store %arg10[%swap3A_214], %swap3A_217 {strides = array<i32>} : memref<64xi32, #tpu.memory_space<vmem>>, vector<16xi32>,
    %add3A_218 = arith.constant 32 : i32
    %add3A_219 = arith.addi %mul3A_4, %add3A_218 : i32
    %add3A_220 = vector.broadcast %add3A_219 : i32 to vector<16xi32>
    %add3A_221 = arith.addi %add3A_220, %min3A_202 : vector<16xi32>
    %swap3A_222 = arith.constant 32 : index
    %swap3A_223 = tpu.vector_load %arg10[%swap3A_222] {strides = array<i32>} : memref<64xi32, #tpu.memory_space<vmem>>, vector<16xi32>,
    %swap3A_224 = vector.shape_cast %swap3A_223 : vector<16xi32> to vector<16xi32>
    %swap3A_225 = vector.shape_cast %add3A_221 : vector<16xi32> to vector<16xi32>
    tpu.vector_store %arg10[%swap3A_222], %swap3A_225 {strides = array<i32>} : memref<64xi32, #tpu.memory_space<vmem>>, vector<16xi32>,
    %add3A_226 = arith.constant 48 : i32
    %add3A_227 = arith.addi %mul3A_4, %add3A_226 : i32
    %add3A_228 = vector.broadcast %add3A_227 : i32 to vector<16xi32>
    %add3A_229 = arith.addi %add3A_228, %min3A_202 : vector<16xi32>
    %swap3A_230 = arith.constant 48 : index
    %swap3A_231 = tpu.vector_load %arg10[%swap3A_230] {strides = array<i32>} : memref<64xi32, #tpu.memory_space<vmem>>, vector<16xi32>,
    %swap3A_232 = vector.shape_cast %swap3A_231 : vector<16xi32> to vector<16xi32>
    %swap3A_233 = vector.shape_cast %add3A_229 : vector<16xi32> to vector<16xi32>
    tpu.vector_store %arg10[%swap3A_230], %swap3A_233 {strides = array<i32>} : memref<64xi32, #tpu.memory_space<vmem>>, vector<16xi32>,
    %not3A = arith.constant true
    %not3A_234 = arith.xori %eq3A_198, %not3A : i1
    %convert_element_type3A = arith.extui %not3A_234 : i1 to i32
    %cond3A = arith.constant 0 : i32
    %cond3A_235 = arith.cmpi ne, %convert_element_type3A, %cond3A : i32
    scf.if %cond3A_235 {
      %add3A_255 = arith.constant 0 : i32
      %add3A_256 = arith.addi %mul3A_2, %add3A_255 : i32
      "tpu.region"() ({
        %run_scoped3A = tpu.sem_alloc : memref<!tpu.dma_semaphore, #tpu.memory_space<semaphore_mem>>
        %dma_start3A_287 = arith.constant 0 : i32
        %dma_start3A_288 = arith.constant 0 : i32
        %dma_start3A_289 = tpu.memref_slice %arg5[%add3A_256, %dma_start3A_287, %dma_start3A_288] : memref<128x4096x128xf32, #tpu.memory_space<hbm>> -> memref<1x16x128xf32, #tpu.memory_space<hbm>>
        %dma_start3A_290 = tpu.memref_squeeze %dma_start3A_289 : memref<1x16x128xf32, #tpu.memory_space<hbm>> -> memref<16x128xf32, #tpu.memory_space<hbm>>
        %dma_start3A_291 = arith.constant 0 : i32
        %dma_start3A_292 = arith.constant 0 : i32
        %dma_start3A_293 = tpu.memref_slice %arg5[%add3A_256, %dma_start3A_291, %dma_start3A_292] : memref<128x4096x128xf32, #tpu.memory_space<hbm>> -> memref<1x16x128xf32, #tpu.memory_space<hbm>>
        %dma_start3A_294 = tpu.memref_squeeze %dma_start3A_293 : memref<1x16x128xf32, #tpu.memory_space<hbm>> -> memref<16x128xf32, #tpu.memory_space<hbm>>
        tpu.enqueue_dma source(%dma_start3A_294 : memref<16x128xf32, #tpu.memory_space<hbm>>) target(%arg13 : memref<16x128xf32, #tpu.memory_space<vmem>>) target_semaphore(%run_scoped3A : memref<!tpu.dma_semaphore, #tpu.memory_space<semaphore_mem>>)
        %dma_wait3A_295 = arith.constant 0 : i32
        %dma_wait3A_296 = arith.constant 0 : i32
        %dma_wait3A_297 = tpu.memref_slice %arg5[%add3A_256, %dma_wait3A_295, %dma_wait3A_296] : memref<128x4096x128xf32, #tpu.memory_space<hbm>> -> memref<1x16x128xf32, #tpu.memory_space<hbm>>
        %dma_wait3A_298 = tpu.memref_squeeze %dma_wait3A_297 : memref<1x16x128xf32, #tpu.memory_space<hbm>> -> memref<16x128xf32, #tpu.memory_space<hbm>>
        %dma_wait3A_299 = arith.constant 0 : i32
        %dma_wait3A_300 = arith.constant 0 : i32
        %dma_wait3A_301 = tpu.memref_slice %arg5[%add3A_256, %dma_wait3A_299, %dma_wait3A_300] : memref<128x4096x128xf32, #tpu.memory_space<hbm>> -> memref<1x16x128xf32, #tpu.memory_space<hbm>>
        %dma_wait3A_302 = tpu.memref_squeeze %dma_wait3A_301 : memref<1x16x128xf32, #tpu.memory_space<hbm>> -> memref<16x128xf32, #tpu.memory_space<hbm>>
        tpu.wait_dma2 semaphore(%run_scoped3A : memref<!tpu.dma_semaphore, #tpu.memory_space<semaphore_mem>>) src(%dma_wait3A_302 : memref<16x128xf32, #tpu.memory_space<hbm>>) dst(%arg13 : memref<16x128xf32, #tpu.memory_space<vmem>>)
        tpu.yield
      }) : () -> ()
      %add3A_257 = arith.constant 0 : i32
      %add3A_258 = arith.addi %mul3A_4, %add3A_257 : i32
      "tpu.region"() ({
        %run_scoped3A = tpu.sem_alloc : memref<!tpu.dma_semaphore, #tpu.memory_space<semaphore_mem>>
        %dma_start3A_287 = arith.constant 0 : i32
        %dma_start3A_288 = tpu.memref_slice %arg7[%add3A_258, %dma_start3A_287] : memref<2048x128xf32, #tpu.memory_space<hbm>> -> memref<16x128xf32, #tpu.memory_space<hbm>>
        %dma_start3A_289 = arith.constant 0 : i32
        %dma_start3A_290 = tpu.memref_slice %arg7[%add3A_258, %dma_start3A_289] : memref<2048x128xf32, #tpu.memory_space<hbm>> -> memref<16x128xf32, #tpu.memory_space<hbm>>
        tpu.enqueue_dma source(%arg13 : memref<16x128xf32, #tpu.memory_space<vmem>>) target(%dma_start3A_290 : memref<16x128xf32, #tpu.memory_space<hbm>>) target_semaphore(%run_scoped3A : memref<!tpu.dma_semaphore, #tpu.memory_space<semaphore_mem>>)
        %dma_wait3A_291 = arith.constant 0 : i32
        %dma_wait3A_292 = tpu.memref_slice %arg7[%add3A_258, %dma_wait3A_291] : memref<2048x128xf32, #tpu.memory_space<hbm>> -> memref<16x128xf32, #tpu.memory_space<hbm>>
        %dma_wait3A_293 = arith.constant 0 : i32
        %dma_wait3A_294 = tpu.memref_slice %arg7[%add3A_258, %dma_wait3A_293] : memref<2048x128xf32, #tpu.memory_space<hbm>> -> memref<16x128xf32, #tpu.memory_space<hbm>>
        tpu.wait_dma2 semaphore(%run_scoped3A : memref<!tpu.dma_semaphore, #tpu.memory_space<semaphore_mem>>) src(%arg13 : memref<16x128xf32, #tpu.memory_space<vmem>>) dst(%dma_wait3A_294 : memref<16x128xf32, #tpu.memory_space<hbm>>)
        tpu.yield
      }) : () -> ()
      %add3A_259 = arith.constant 0 : i32
      %add3A_260 = arith.addi %mul3A_2, %add3A_259 : i32
      "tpu.region"() ({
        %run_scoped3A = tpu.sem_alloc : memref<!tpu.dma_semaphore, #tpu.memory_space<semaphore_mem>>
        %dma_start3A_287 = arith.constant 0 : i32
        %dma_start3A_288 = arith.constant 0 : i32
        %dma_start3A_289 = tpu.memref_slice %arg6[%add3A_260, %dma_start3A_287, %dma_start3A_288] : memref<128x4096x128xf32, #tpu.memory_space<hbm>> -> memref<1x16x128xf32, #tpu.memory_space<hbm>>
        %dma_start3A_290 = tpu.memref_squeeze %dma_start3A_289 : memref<1x16x128xf32, #tpu.memory_space<hbm>> -> memref<16x128xf32, #tpu.memory_space<hbm>>
        %dma_start3A_291 = arith.constant 0 : i32
        %dma_start3A_292 = arith.constant 0 : i32
        %dma_start3A_293 = tpu.memref_slice %arg6[%add3A_260, %dma_start3A_291, %dma_start3A_292] : memref<128x4096x128xf32, #tpu.memory_space<hbm>> -> memref<1x16x128xf32, #tpu.memory_space<hbm>>
        %dma_start3A_294 = tpu.memref_squeeze %dma_start3A_293 : memref<1x16x128xf32, #tpu.memory_space<hbm>> -> memref<16x128xf32, #tpu.memory_space<hbm>>
        tpu.enqueue_dma source(%dma_start3A_294 : memref<16x128xf32, #tpu.memory_space<hbm>>) target(%arg13 : memref<16x128xf32, #tpu.memory_space<vmem>>) target_semaphore(%run_scoped3A : memref<!tpu.dma_semaphore, #tpu.memory_space<semaphore_mem>>)
        %dma_wait3A_295 = arith.constant 0 : i32
        %dma_wait3A_296 = arith.constant 0 : i32
        %dma_wait3A_297 = tpu.memref_slice %arg6[%add3A_260, %dma_wait3A_295, %dma_wait3A_296] : memref<128x4096x128xf32, #tpu.memory_space<hbm>> -> memref<1x16x128xf32, #tpu.memory_space<hbm>>
        %dma_wait3A_298 = tpu.memref_squeeze %dma_wait3A_297 : memref<1x16x128xf32, #tpu.memory_space<hbm>> -> memref<16x128xf32, #tpu.memory_space<hbm>>
        %dma_wait3A_299 = arith.constant 0 : i32
        %dma_wait3A_300 = arith.constant 0 : i32
        %dma_wait3A_301 = tpu.memref_slice %arg6[%add3A_260, %dma_wait3A_299, %dma_wait3A_300] : memref<128x4096x128xf32, #tpu.memory_space<hbm>> -> memref<1x16x128xf32, #tpu.memory_space<hbm>>
        %dma_wait3A_302 = tpu.memref_squeeze %dma_wait3A_301 : memref<1x16x128xf32, #tpu.memory_space<hbm>> -> memref<16x128xf32, #tpu.memory_space<hbm>>
        tpu.wait_dma2 semaphore(%run_scoped3A : memref<!tpu.dma_semaphore, #tpu.memory_space<semaphore_mem>>) src(%dma_wait3A_302 : memref<16x128xf32, #tpu.memory_space<hbm>>) dst(%arg13 : memref<16x128xf32, #tpu.memory_space<vmem>>)
        tpu.yield
      }) : () -> ()
      %add3A_261 = arith.constant 0 : i32
      %add3A_262 = arith.addi %mul3A_4, %add3A_261 : i32
      "tpu.region"() ({
        %run_scoped3A = tpu.sem_alloc : memref<!tpu.dma_semaphore, #tpu.memory_space<semaphore_mem>>
        %dma_start3A_287 = arith.constant 0 : i32
        %dma_start3A_288 = tpu.memref_slice %arg8[%add3A_262, %dma_start3A_287] : memref<2048x128xf32, #tpu.memory_space<hbm>> -> memref<16x128xf32, #tpu.memory_space<hbm>>
        %dma_start3A_289 = arith.constant 0 : i32
        %dma_start3A_290 = tpu.memref_slice %arg8[%add3A_262, %dma_start3A_289] : memref<2048x128xf32, #tpu.memory_space<hbm>> -> memref<16x128xf32, #tpu.memory_space<hbm>>
        tpu.enqueue_dma source(%arg13 : memref<16x128xf32, #tpu.memory_space<vmem>>) target(%dma_start3A_290 : memref<16x128xf32, #tpu.memory_space<hbm>>) target_semaphore(%run_scoped3A : memref<!tpu.dma_semaphore, #tpu.memory_space<semaphore_mem>>)
        %dma_wait3A_291 = arith.constant 0 : i32
        %dma_wait3A_292 = tpu.memref_slice %arg8[%add3A_262, %dma_wait3A_291] : memref<2048x128xf32, #tpu.memory_space<hbm>> -> memref<16x128xf32, #tpu.memory_space<hbm>>
        %dma_wait3A_293 = arith.constant 0 : i32
        %dma_wait3A_294 = tpu.memref_slice %arg8[%add3A_262, %dma_wait3A_293] : memref<2048x128xf32, #tpu.memory_space<hbm>> -> memref<16x128xf32, #tpu.memory_space<hbm>>
        tpu.wait_dma2 semaphore(%run_scoped3A : memref<!tpu.dma_semaphore, #tpu.memory_space<semaphore_mem>>) src(%arg13 : memref<16x128xf32, #tpu.memory_space<vmem>>) dst(%dma_wait3A_294 : memref<16x128xf32, #tpu.memory_space<hbm>>)
        tpu.yield
      }) : () -> ()
      %add3A_263 = arith.constant 1 : i32
      %add3A_264 = arith.addi %mul3A_2, %add3A_263 : i32
      "tpu.region"() ({
        %run_scoped3A = tpu.sem_alloc : memref<!tpu.dma_semaphore, #tpu.memory_space<semaphore_mem>>
        %dma_start3A_287 = arith.constant 0 : i32
        %dma_start3A_288 = arith.constant 0 : i32
        %dma_start3A_289 = tpu.memref_slice %arg5[%add3A_264, %dma_start3A_287, %dma_start3A_288] : memref<128x4096x128xf32, #tpu.memory_space<hbm>> -> memref<1x16x128xf32, #tpu.memory_space<hbm>>
        %dma_start3A_290 = tpu.memref_squeeze %dma_start3A_289 : memref<1x16x128xf32, #tpu.memory_space<hbm>> -> memref<16x128xf32, #tpu.memory_space<hbm>>
        %dma_start3A_291 = arith.constant 0 : i32
        %dma_start3A_292 = arith.constant 0 : i32
        %dma_start3A_293 = tpu.memref_slice %arg5[%add3A_264, %dma_start3A_291, %dma_start3A_292] : memref<128x4096x128xf32, #tpu.memory_space<hbm>> -> memref<1x16x128xf32, #tpu.memory_space<hbm>>
        %dma_start3A_294 = tpu.memref_squeeze %dma_start3A_293 : memref<1x16x128xf32, #tpu.memory_space<hbm>> -> memref<16x128xf32, #tpu.memory_space<hbm>>
        tpu.enqueue_dma source(%dma_start3A_294 : memref<16x128xf32, #tpu.memory_space<hbm>>) target(%arg13 : memref<16x128xf32, #tpu.memory_space<vmem>>) target_semaphore(%run_scoped3A : memref<!tpu.dma_semaphore, #tpu.memory_space<semaphore_mem>>)
        %dma_wait3A_295 = arith.constant 0 : i32
        %dma_wait3A_296 = arith.constant 0 : i32
        %dma_wait3A_297 = tpu.memref_slice %arg5[%add3A_264, %dma_wait3A_295, %dma_wait3A_296] : memref<128x4096x128xf32, #tpu.memory_space<hbm>> -> memref<1x16x128xf32, #tpu.memory_space<hbm>>
        %dma_wait3A_298 = tpu.memref_squeeze %dma_wait3A_297 : memref<1x16x128xf32, #tpu.memory_space<hbm>> -> memref<16x128xf32, #tpu.memory_space<hbm>>
        %dma_wait3A_299 = arith.constant 0 : i32
        %dma_wait3A_300 = arith.constant 0 : i32
        %dma_wait3A_301 = tpu.memref_slice %arg5[%add3A_264, %dma_wait3A_299, %dma_wait3A_300] : memref<128x4096x128xf32, #tpu.memory_space<hbm>> -> memref<1x16x128xf32, #tpu.memory_space<hbm>>
        %dma_wait3A_302 = tpu.memref_squeeze %dma_wait3A_301 : memref<1x16x128xf32, #tpu.memory_space<hbm>> -> memref<16x128xf32, #tpu.memory_space<hbm>>
        tpu.wait_dma2 semaphore(%run_scoped3A : memref<!tpu.dma_semaphore, #tpu.memory_space<semaphore_mem>>) src(%dma_wait3A_302 : memref<16x128xf32, #tpu.memory_space<hbm>>) dst(%arg13 : memref<16x128xf32, #tpu.memory_space<vmem>>)
        tpu.yield
      }) : () -> ()
      %add3A_265 = arith.constant 16 : i32
      %add3A_266 = arith.addi %mul3A_4, %add3A_265 : i32
      "tpu.region"() ({
        %run_scoped3A = tpu.sem_alloc : memref<!tpu.dma_semaphore, #tpu.memory_space<semaphore_mem>>
        %dma_start3A_287 = arith.constant 0 : i32
        %dma_start3A_288 = tpu.memref_slice %arg7[%add3A_266, %dma_start3A_287] : memref<2048x128xf32, #tpu.memory_space<hbm>> -> memref<16x128xf32, #tpu.memory_space<hbm>>
        %dma_start3A_289 = arith.constant 0 : i32
        %dma_start3A_290 = tpu.memref_slice %arg7[%add3A_266, %dma_start3A_289] : memref<2048x128xf32, #tpu.memory_space<hbm>> -> memref<16x128xf32, #tpu.memory_space<hbm>>
        tpu.enqueue_dma source(%arg13 : memref<16x128xf32, #tpu.memory_space<vmem>>) target(%dma_start3A_290 : memref<16x128xf32, #tpu.memory_space<hbm>>) target_semaphore(%run_scoped3A : memref<!tpu.dma_semaphore, #tpu.memory_space<semaphore_mem>>)
        %dma_wait3A_291 = arith.constant 0 : i32
        %dma_wait3A_292 = tpu.memref_slice %arg7[%add3A_266, %dma_wait3A_291] : memref<2048x128xf32, #tpu.memory_space<hbm>> -> memref<16x128xf32, #tpu.memory_space<hbm>>
        %dma_wait3A_293 = arith.constant 0 : i32
        %dma_wait3A_294 = tpu.memref_slice %arg7[%add3A_266, %dma_wait3A_293] : memref<2048x128xf32, #tpu.memory_space<hbm>> -> memref<16x128xf32, #tpu.memory_space<hbm>>
        tpu.wait_dma2 semaphore(%run_scoped3A : memref<!tpu.dma_semaphore, #tpu.memory_space<semaphore_mem>>) src(%arg13 : memref<16x128xf32, #tpu.memory_space<vmem>>) dst(%dma_wait3A_294 : memref<16x128xf32, #tpu.memory_space<hbm>>)
        tpu.yield
      }) : () -> ()
      %add3A_267 = arith.constant 1 : i32
      %add3A_268 = arith.addi %mul3A_2, %add3A_267 : i32
      "tpu.region"() ({
        %run_scoped3A = tpu.sem_alloc : memref<!tpu.dma_semaphore, #tpu.memory_space<semaphore_mem>>
        %dma_start3A_287 = arith.constant 0 : i32
        %dma_start3A_288 = arith.constant 0 : i32
        %dma_start3A_289 = tpu.memref_slice %arg6[%add3A_268, %dma_start3A_287, %dma_start3A_288] : memref<128x4096x128xf32, #tpu.memory_space<hbm>> -> memref<1x16x128xf32, #tpu.memory_space<hbm>>
        %dma_start3A_290 = tpu.memref_squeeze %dma_start3A_289 : memref<1x16x128xf32, #tpu.memory_space<hbm>> -> memref<16x128xf32, #tpu.memory_space<hbm>>
        %dma_start3A_291 = arith.constant 0 : i32
        %dma_start3A_292 = arith.constant 0 : i32
        %dma_start3A_293 = tpu.memref_slice %arg6[%add3A_268, %dma_start3A_291, %dma_start3A_292] : memref<128x4096x128xf32, #tpu.memory_space<hbm>> -> memref<1x16x128xf32, #tpu.memory_space<hbm>>
        %dma_start3A_294 = tpu.memref_squeeze %dma_start3A_293 : memref<1x16x128xf32, #tpu.memory_space<hbm>> -> memref<16x128xf32, #tpu.memory_space<hbm>>
        tpu.enqueue_dma source(%dma_start3A_294 : memref<16x128xf32, #tpu.memory_space<hbm>>) target(%arg13 : memref<16x128xf32, #tpu.memory_space<vmem>>) target_semaphore(%run_scoped3A : memref<!tpu.dma_semaphore, #tpu.memory_space<semaphore_mem>>)
        %dma_wait3A_295 = arith.constant 0 : i32
        %dma_wait3A_296 = arith.constant 0 : i32
        %dma_wait3A_297 = tpu.memref_slice %arg6[%add3A_268, %dma_wait3A_295, %dma_wait3A_296] : memref<128x4096x128xf32, #tpu.memory_space<hbm>> -> memref<1x16x128xf32, #tpu.memory_space<hbm>>
        %dma_wait3A_298 = tpu.memref_squeeze %dma_wait3A_297 : memref<1x16x128xf32, #tpu.memory_space<hbm>> -> memref<16x128xf32, #tpu.memory_space<hbm>>
        %dma_wait3A_299 = arith.constant 0 : i32
        %dma_wait3A_300 = arith.constant 0 : i32
        %dma_wait3A_301 = tpu.memref_slice %arg6[%add3A_268, %dma_wait3A_299, %dma_wait3A_300] : memref<128x4096x128xf32, #tpu.memory_space<hbm>> -> memref<1x16x128xf32, #tpu.memory_space<hbm>>
        %dma_wait3A_302 = tpu.memref_squeeze %dma_wait3A_301 : memref<1x16x128xf32, #tpu.memory_space<hbm>> -> memref<16x128xf32, #tpu.memory_space<hbm>>
        tpu.wait_dma2 semaphore(%run_scoped3A : memref<!tpu.dma_semaphore, #tpu.memory_space<semaphore_mem>>) src(%dma_wait3A_302 : memref<16x128xf32, #tpu.memory_space<hbm>>) dst(%arg13 : memref<16x128xf32, #tpu.memory_space<vmem>>)
        tpu.yield
      }) : () -> ()
      %add3A_269 = arith.constant 16 : i32
      %add3A_270 = arith.addi %mul3A_4, %add3A_269 : i32
      "tpu.region"() ({
        %run_scoped3A = tpu.sem_alloc : memref<!tpu.dma_semaphore, #tpu.memory_space<semaphore_mem>>
        %dma_start3A_287 = arith.constant 0 : i32
        %dma_start3A_288 = tpu.memref_slice %arg8[%add3A_270, %dma_start3A_287] : memref<2048x128xf32, #tpu.memory_space<hbm>> -> memref<16x128xf32, #tpu.memory_space<hbm>>
        %dma_start3A_289 = arith.constant 0 : i32
        %dma_start3A_290 = tpu.memref_slice %arg8[%add3A_270, %dma_start3A_289] : memref<2048x128xf32, #tpu.memory_space<hbm>> -> memref<16x128xf32, #tpu.memory_space<hbm>>
        tpu.enqueue_dma source(%arg13 : memref<16x128xf32, #tpu.memory_space<vmem>>) target(%dma_start3A_290 : memref<16x128xf32, #tpu.memory_space<hbm>>) target_semaphore(%run_scoped3A : memref<!tpu.dma_semaphore, #tpu.memory_space<semaphore_mem>>)
        %dma_wait3A_291 = arith.constant 0 : i32
        %dma_wait3A_292 = tpu.memref_slice %arg8[%add3A_270, %dma_wait3A_291] : memref<2048x128xf32, #tpu.memory_space<hbm>> -> memref<16x128xf32, #tpu.memory_space<hbm>>
        %dma_wait3A_293 = arith.constant 0 : i32
        %dma_wait3A_294 = tpu.memref_slice %arg8[%add3A_270, %dma_wait3A_293] : memref<2048x128xf32, #tpu.memory_space<hbm>> -> memref<16x128xf32, #tpu.memory_space<hbm>>
        tpu.wait_dma2 semaphore(%run_scoped3A : memref<!tpu.dma_semaphore, #tpu.memory_space<semaphore_mem>>) src(%arg13 : memref<16x128xf32, #tpu.memory_space<vmem>>) dst(%dma_wait3A_294 : memref<16x128xf32, #tpu.memory_space<hbm>>)
        tpu.yield
      }) : () -> ()
      %add3A_271 = arith.constant 2 : i32
      %add3A_272 = arith.addi %mul3A_2, %add3A_271 : i32
      "tpu.region"() ({
        %run_scoped3A = tpu.sem_alloc : memref<!tpu.dma_semaphore, #tpu.memory_space<semaphore_mem>>
        %dma_start3A_287 = arith.constant 0 : i32
        %dma_start3A_288 = arith.constant 0 : i32
        %dma_start3A_289 = tpu.memref_slice %arg5[%add3A_272, %dma_start3A_287, %dma_start3A_288] : memref<128x4096x128xf32, #tpu.memory_space<hbm>> -> memref<1x16x128xf32, #tpu.memory_space<hbm>>
        %dma_start3A_290 = tpu.memref_squeeze %dma_start3A_289 : memref<1x16x128xf32, #tpu.memory_space<hbm>> -> memref<16x128xf32, #tpu.memory_space<hbm>>
        %dma_start3A_291 = arith.constant 0 : i32
        %dma_start3A_292 = arith.constant 0 : i32
        %dma_start3A_293 = tpu.memref_slice %arg5[%add3A_272, %dma_start3A_291, %dma_start3A_292] : memref<128x4096x128xf32, #tpu.memory_space<hbm>> -> memref<1x16x128xf32, #tpu.memory_space<hbm>>
        %dma_start3A_294 = tpu.memref_squeeze %dma_start3A_293 : memref<1x16x128xf32, #tpu.memory_space<hbm>> -> memref<16x128xf32, #tpu.memory_space<hbm>>
        tpu.enqueue_dma source(%dma_start3A_294 : memref<16x128xf32, #tpu.memory_space<hbm>>) target(%arg13 : memref<16x128xf32, #tpu.memory_space<vmem>>) target_semaphore(%run_scoped3A : memref<!tpu.dma_semaphore, #tpu.memory_space<semaphore_mem>>)
        %dma_wait3A_295 = arith.constant 0 : i32
        %dma_wait3A_296 = arith.constant 0 : i32
        %dma_wait3A_297 = tpu.memref_slice %arg5[%add3A_272, %dma_wait3A_295, %dma_wait3A_296] : memref<128x4096x128xf32, #tpu.memory_space<hbm>> -> memref<1x16x128xf32, #tpu.memory_space<hbm>>
        %dma_wait3A_298 = tpu.memref_squeeze %dma_wait3A_297 : memref<1x16x128xf32, #tpu.memory_space<hbm>> -> memref<16x128xf32, #tpu.memory_space<hbm>>
        %dma_wait3A_299 = arith.constant 0 : i32
        %dma_wait3A_300 = arith.constant 0 : i32
        %dma_wait3A_301 = tpu.memref_slice %arg5[%add3A_272, %dma_wait3A_299, %dma_wait3A_300] : memref<128x4096x128xf32, #tpu.memory_space<hbm>> -> memref<1x16x128xf32, #tpu.memory_space<hbm>>
        %dma_wait3A_302 = tpu.memref_squeeze %dma_wait3A_301 : memref<1x16x128xf32, #tpu.memory_space<hbm>> -> memref<16x128xf32, #tpu.memory_space<hbm>>
        tpu.wait_dma2 semaphore(%run_scoped3A : memref<!tpu.dma_semaphore, #tpu.memory_space<semaphore_mem>>) src(%dma_wait3A_302 : memref<16x128xf32, #tpu.memory_space<hbm>>) dst(%arg13 : memref<16x128xf32, #tpu.memory_space<vmem>>)
        tpu.yield
      }) : () -> ()
      %add3A_273 = arith.constant 32 : i32
      %add3A_274 = arith.addi %mul3A_4, %add3A_273 : i32
      "tpu.region"() ({
        %run_scoped3A = tpu.sem_alloc : memref<!tpu.dma_semaphore, #tpu.memory_space<semaphore_mem>>
        %dma_start3A_287 = arith.constant 0 : i32
        %dma_start3A_288 = tpu.memref_slice %arg7[%add3A_274, %dma_start3A_287] : memref<2048x128xf32, #tpu.memory_space<hbm>> -> memref<16x128xf32, #tpu.memory_space<hbm>>
        %dma_start3A_289 = arith.constant 0 : i32
        %dma_start3A_290 = tpu.memref_slice %arg7[%add3A_274, %dma_start3A_289] : memref<2048x128xf32, #tpu.memory_space<hbm>> -> memref<16x128xf32, #tpu.memory_space<hbm>>
        tpu.enqueue_dma source(%arg13 : memref<16x128xf32, #tpu.memory_space<vmem>>) target(%dma_start3A_290 : memref<16x128xf32, #tpu.memory_space<hbm>>) target_semaphore(%run_scoped3A : memref<!tpu.dma_semaphore, #tpu.memory_space<semaphore_mem>>)
        %dma_wait3A_291 = arith.constant 0 : i32
        %dma_wait3A_292 = tpu.memref_slice %arg7[%add3A_274, %dma_wait3A_291] : memref<2048x128xf32, #tpu.memory_space<hbm>> -> memref<16x128xf32, #tpu.memory_space<hbm>>
        %dma_wait3A_293 = arith.constant 0 : i32
        %dma_wait3A_294 = tpu.memref_slice %arg7[%add3A_274, %dma_wait3A_293] : memref<2048x128xf32, #tpu.memory_space<hbm>> -> memref<16x128xf32, #tpu.memory_space<hbm>>
        tpu.wait_dma2 semaphore(%run_scoped3A : memref<!tpu.dma_semaphore, #tpu.memory_space<semaphore_mem>>) src(%arg13 : memref<16x128xf32, #tpu.memory_space<vmem>>) dst(%dma_wait3A_294 : memref<16x128xf32, #tpu.memory_space<hbm>>)
        tpu.yield
      }) : () -> ()
      %add3A_275 = arith.constant 2 : i32
      %add3A_276 = arith.addi %mul3A_2, %add3A_275 : i32
      "tpu.region"() ({
        %run_scoped3A = tpu.sem_alloc : memref<!tpu.dma_semaphore, #tpu.memory_space<semaphore_mem>>
        %dma_start3A_287 = arith.constant 0 : i32
        %dma_start3A_288 = arith.constant 0 : i32
        %dma_start3A_289 = tpu.memref_slice %arg6[%add3A_276, %dma_start3A_287, %dma_start3A_288] : memref<128x4096x128xf32, #tpu.memory_space<hbm>> -> memref<1x16x128xf32, #tpu.memory_space<hbm>>
        %dma_start3A_290 = tpu.memref_squeeze %dma_start3A_289 : memref<1x16x128xf32, #tpu.memory_space<hbm>> -> memref<16x128xf32, #tpu.memory_space<hbm>>
        %dma_start3A_291 = arith.constant 0 : i32
        %dma_start3A_292 = arith.constant 0 : i32
        %dma_start3A_293 = tpu.memref_slice %arg6[%add3A_276, %dma_start3A_291, %dma_start3A_292] : memref<128x4096x128xf32, #tpu.memory_space<hbm>> -> memref<1x16x128xf32, #tpu.memory_space<hbm>>
        %dma_start3A_294 = tpu.memref_squeeze %dma_start3A_293 : memref<1x16x128xf32, #tpu.memory_space<hbm>> -> memref<16x128xf32, #tpu.memory_space<hbm>>
        tpu.enqueue_dma source(%dma_start3A_294 : memref<16x128xf32, #tpu.memory_space<hbm>>) target(%arg13 : memref<16x128xf32, #tpu.memory_space<vmem>>) target_semaphore(%run_scoped3A : memref<!tpu.dma_semaphore, #tpu.memory_space<semaphore_mem>>)
        %dma_wait3A_295 = arith.constant 0 : i32
        %dma_wait3A_296 = arith.constant 0 : i32
        %dma_wait3A_297 = tpu.memref_slice %arg6[%add3A_276, %dma_wait3A_295, %dma_wait3A_296] : memref<128x4096x128xf32, #tpu.memory_space<hbm>> -> memref<1x16x128xf32, #tpu.memory_space<hbm>>
        %dma_wait3A_298 = tpu.memref_squeeze %dma_wait3A_297 : memref<1x16x128xf32, #tpu.memory_space<hbm>> -> memref<16x128xf32, #tpu.memory_space<hbm>>
        %dma_wait3A_299 = arith.constant 0 : i32
        %dma_wait3A_300 = arith.constant 0 : i32
        %dma_wait3A_301 = tpu.memref_slice %arg6[%add3A_276, %dma_wait3A_299, %dma_wait3A_300] : memref<128x4096x128xf32, #tpu.memory_space<hbm>> -> memref<1x16x128xf32, #tpu.memory_space<hbm>>
        %dma_wait3A_302 = tpu.memref_squeeze %dma_wait3A_301 : memref<1x16x128xf32, #tpu.memory_space<hbm>> -> memref<16x128xf32, #tpu.memory_space<hbm>>
        tpu.wait_dma2 semaphore(%run_scoped3A : memref<!tpu.dma_semaphore, #tpu.memory_space<semaphore_mem>>) src(%dma_wait3A_302 : memref<16x128xf32, #tpu.memory_space<hbm>>) dst(%arg13 : memref<16x128xf32, #tpu.memory_space<vmem>>)
        tpu.yield
      }) : () -> ()
      %add3A_277 = arith.constant 32 : i32
      %add3A_278 = arith.addi %mul3A_4, %add3A_277 : i32
      "tpu.region"() ({
        %run_scoped3A = tpu.sem_alloc : memref<!tpu.dma_semaphore, #tpu.memory_space<semaphore_mem>>
        %dma_start3A_287 = arith.constant 0 : i32
        %dma_start3A_288 = tpu.memref_slice %arg8[%add3A_278, %dma_start3A_287] : memref<2048x128xf32, #tpu.memory_space<hbm>> -> memref<16x128xf32, #tpu.memory_space<hbm>>
        %dma_start3A_289 = arith.constant 0 : i32
        %dma_start3A_290 = tpu.memref_slice %arg8[%add3A_278, %dma_start3A_289] : memref<2048x128xf32, #tpu.memory_space<hbm>> -> memref<16x128xf32, #tpu.memory_space<hbm>>
        tpu.enqueue_dma source(%arg13 : memref<16x128xf32, #tpu.memory_space<vmem>>) target(%dma_start3A_290 : memref<16x128xf32, #tpu.memory_space<hbm>>) target_semaphore(%run_scoped3A : memref<!tpu.dma_semaphore, #tpu.memory_space<semaphore_mem>>)
        %dma_wait3A_291 = arith.constant 0 : i32
        %dma_wait3A_292 = tpu.memref_slice %arg8[%add3A_278, %dma_wait3A_291] : memref<2048x128xf32, #tpu.memory_space<hbm>> -> memref<16x128xf32, #tpu.memory_space<hbm>>
        %dma_wait3A_293 = arith.constant 0 : i32
        %dma_wait3A_294 = tpu.memref_slice %arg8[%add3A_278, %dma_wait3A_293] : memref<2048x128xf32, #tpu.memory_space<hbm>> -> memref<16x128xf32, #tpu.memory_space<hbm>>
        tpu.wait_dma2 semaphore(%run_scoped3A : memref<!tpu.dma_semaphore, #tpu.memory_space<semaphore_mem>>) src(%arg13 : memref<16x128xf32, #tpu.memory_space<vmem>>) dst(%dma_wait3A_294 : memref<16x128xf32, #tpu.memory_space<hbm>>)
        tpu.yield
      }) : () -> ()
      %add3A_279 = arith.constant 3 : i32
      %add3A_280 = arith.addi %mul3A_2, %add3A_279 : i32
      "tpu.region"() ({
        %run_scoped3A = tpu.sem_alloc : memref<!tpu.dma_semaphore, #tpu.memory_space<semaphore_mem>>
        %dma_start3A_287 = arith.constant 0 : i32
        %dma_start3A_288 = arith.constant 0 : i32
        %dma_start3A_289 = tpu.memref_slice %arg5[%add3A_280, %dma_start3A_287, %dma_start3A_288] : memref<128x4096x128xf32, #tpu.memory_space<hbm>> -> memref<1x16x128xf32, #tpu.memory_space<hbm>>
        %dma_start3A_290 = tpu.memref_squeeze %dma_start3A_289 : memref<1x16x128xf32, #tpu.memory_space<hbm>> -> memref<16x128xf32, #tpu.memory_space<hbm>>
        %dma_start3A_291 = arith.constant 0 : i32
        %dma_start3A_292 = arith.constant 0 : i32
        %dma_start3A_293 = tpu.memref_slice %arg5[%add3A_280, %dma_start3A_291, %dma_start3A_292] : memref<128x4096x128xf32, #tpu.memory_space<hbm>> -> memref<1x16x128xf32, #tpu.memory_space<hbm>>
        %dma_start3A_294 = tpu.memref_squeeze %dma_start3A_293 : memref<1x16x128xf32, #tpu.memory_space<hbm>> -> memref<16x128xf32, #tpu.memory_space<hbm>>
        tpu.enqueue_dma source(%dma_start3A_294 : memref<16x128xf32, #tpu.memory_space<hbm>>) target(%arg13 : memref<16x128xf32, #tpu.memory_space<vmem>>) target_semaphore(%run_scoped3A : memref<!tpu.dma_semaphore, #tpu.memory_space<semaphore_mem>>)
        %dma_wait3A_295 = arith.constant 0 : i32
        %dma_wait3A_296 = arith.constant 0 : i32
        %dma_wait3A_297 = tpu.memref_slice %arg5[%add3A_280, %dma_wait3A_295, %dma_wait3A_296] : memref<128x4096x128xf32, #tpu.memory_space<hbm>> -> memref<1x16x128xf32, #tpu.memory_space<hbm>>
        %dma_wait3A_298 = tpu.memref_squeeze %dma_wait3A_297 : memref<1x16x128xf32, #tpu.memory_space<hbm>> -> memref<16x128xf32, #tpu.memory_space<hbm>>
        %dma_wait3A_299 = arith.constant 0 : i32
        %dma_wait3A_300 = arith.constant 0 : i32
        %dma_wait3A_301 = tpu.memref_slice %arg5[%add3A_280, %dma_wait3A_299, %dma_wait3A_300] : memref<128x4096x128xf32, #tpu.memory_space<hbm>> -> memref<1x16x128xf32, #tpu.memory_space<hbm>>
        %dma_wait3A_302 = tpu.memref_squeeze %dma_wait3A_301 : memref<1x16x128xf32, #tpu.memory_space<hbm>> -> memref<16x128xf32, #tpu.memory_space<hbm>>
        tpu.wait_dma2 semaphore(%run_scoped3A : memref<!tpu.dma_semaphore, #tpu.memory_space<semaphore_mem>>) src(%dma_wait3A_302 : memref<16x128xf32, #tpu.memory_space<hbm>>) dst(%arg13 : memref<16x128xf32, #tpu.memory_space<vmem>>)
        tpu.yield
      }) : () -> ()
      %add3A_281 = arith.constant 48 : i32
      %add3A_282 = arith.addi %mul3A_4, %add3A_281 : i32
      "tpu.region"() ({
        %run_scoped3A = tpu.sem_alloc : memref<!tpu.dma_semaphore, #tpu.memory_space<semaphore_mem>>
        %dma_start3A_287 = arith.constant 0 : i32
        %dma_start3A_288 = tpu.memref_slice %arg7[%add3A_282, %dma_start3A_287] : memref<2048x128xf32, #tpu.memory_space<hbm>> -> memref<16x128xf32, #tpu.memory_space<hbm>>
        %dma_start3A_289 = arith.constant 0 : i32
        %dma_start3A_290 = tpu.memref_slice %arg7[%add3A_282, %dma_start3A_289] : memref<2048x128xf32, #tpu.memory_space<hbm>> -> memref<16x128xf32, #tpu.memory_space<hbm>>
        tpu.enqueue_dma source(%arg13 : memref<16x128xf32, #tpu.memory_space<vmem>>) target(%dma_start3A_290 : memref<16x128xf32, #tpu.memory_space<hbm>>) target_semaphore(%run_scoped3A : memref<!tpu.dma_semaphore, #tpu.memory_space<semaphore_mem>>)
        %dma_wait3A_291 = arith.constant 0 : i32
        %dma_wait3A_292 = tpu.memref_slice %arg7[%add3A_282, %dma_wait3A_291] : memref<2048x128xf32, #tpu.memory_space<hbm>> -> memref<16x128xf32, #tpu.memory_space<hbm>>
        %dma_wait3A_293 = arith.constant 0 : i32
        %dma_wait3A_294 = tpu.memref_slice %arg7[%add3A_282, %dma_wait3A_293] : memref<2048x128xf32, #tpu.memory_space<hbm>> -> memref<16x128xf32, #tpu.memory_space<hbm>>
        tpu.wait_dma2 semaphore(%run_scoped3A : memref<!tpu.dma_semaphore, #tpu.memory_space<semaphore_mem>>) src(%arg13 : memref<16x128xf32, #tpu.memory_space<vmem>>) dst(%dma_wait3A_294 : memref<16x128xf32, #tpu.memory_space<hbm>>)
        tpu.yield
      }) : () -> ()
      %add3A_283 = arith.constant 3 : i32
      %add3A_284 = arith.addi %mul3A_2, %add3A_283 : i32
      "tpu.region"() ({
        %run_scoped3A = tpu.sem_alloc : memref<!tpu.dma_semaphore, #tpu.memory_space<semaphore_mem>>
        %dma_start3A_287 = arith.constant 0 : i32
        %dma_start3A_288 = arith.constant 0 : i32
        %dma_start3A_289 = tpu.memref_slice %arg6[%add3A_284, %dma_start3A_287, %dma_start3A_288] : memref<128x4096x128xf32, #tpu.memory_space<hbm>> -> memref<1x16x128xf32, #tpu.memory_space<hbm>>
        %dma_start3A_290 = tpu.memref_squeeze %dma_start3A_289 : memref<1x16x128xf32, #tpu.memory_space<hbm>> -> memref<16x128xf32, #tpu.memory_space<hbm>>
        %dma_start3A_291 = arith.constant 0 : i32
        %dma_start3A_292 = arith.constant 0 : i32
        %dma_start3A_293 = tpu.memref_slice %arg6[%add3A_284, %dma_start3A_291, %dma_start3A_292] : memref<128x4096x128xf32, #tpu.memory_space<hbm>> -> memref<1x16x128xf32, #tpu.memory_space<hbm>>
        %dma_start3A_294 = tpu.memref_squeeze %dma_start3A_293 : memref<1x16x128xf32, #tpu.memory_space<hbm>> -> memref<16x128xf32, #tpu.memory_space<hbm>>
        tpu.enqueue_dma source(%dma_start3A_294 : memref<16x128xf32, #tpu.memory_space<hbm>>) target(%arg13 : memref<16x128xf32, #tpu.memory_space<vmem>>) target_semaphore(%run_scoped3A : memref<!tpu.dma_semaphore, #tpu.memory_space<semaphore_mem>>)
        %dma_wait3A_295 = arith.constant 0 : i32
        %dma_wait3A_296 = arith.constant 0 : i32
        %dma_wait3A_297 = tpu.memref_slice %arg6[%add3A_284, %dma_wait3A_295, %dma_wait3A_296] : memref<128x4096x128xf32, #tpu.memory_space<hbm>> -> memref<1x16x128xf32, #tpu.memory_space<hbm>>
        %dma_wait3A_298 = tpu.memref_squeeze %dma_wait3A_297 : memref<1x16x128xf32, #tpu.memory_space<hbm>> -> memref<16x128xf32, #tpu.memory_space<hbm>>
        %dma_wait3A_299 = arith.constant 0 : i32
        %dma_wait3A_300 = arith.constant 0 : i32
        %dma_wait3A_301 = tpu.memref_slice %arg6[%add3A_284, %dma_wait3A_299, %dma_wait3A_300] : memref<128x4096x128xf32, #tpu.memory_space<hbm>> -> memref<1x16x128xf32, #tpu.memory_space<hbm>>
        %dma_wait3A_302 = tpu.memref_squeeze %dma_wait3A_301 : memref<1x16x128xf32, #tpu.memory_space<hbm>> -> memref<16x128xf32, #tpu.memory_space<hbm>>
        tpu.wait_dma2 semaphore(%run_scoped3A : memref<!tpu.dma_semaphore, #tpu.memory_space<semaphore_mem>>) src(%dma_wait3A_302 : memref<16x128xf32, #tpu.memory_space<hbm>>) dst(%arg13 : memref<16x128xf32, #tpu.memory_space<vmem>>)
        tpu.yield
      }) : () -> ()
      %add3A_285 = arith.constant 48 : i32
      %add3A_286 = arith.addi %mul3A_4, %add3A_285 : i32
      "tpu.region"() ({
        %run_scoped3A = tpu.sem_alloc : memref<!tpu.dma_semaphore, #tpu.memory_space<semaphore_mem>>
        %dma_start3A_287 = arith.constant 0 : i32
        %dma_start3A_288 = tpu.memref_slice %arg8[%add3A_286, %dma_start3A_287] : memref<2048x128xf32, #tpu.memory_space<hbm>> -> memref<16x128xf32, #tpu.memory_space<hbm>>
        %dma_start3A_289 = arith.constant 0 : i32
        %dma_start3A_290 = tpu.memref_slice %arg8[%add3A_286, %dma_start3A_289] : memref<2048x128xf32, #tpu.memory_space<hbm>> -> memref<16x128xf32, #tpu.memory_space<hbm>>
        tpu.enqueue_dma source(%arg13 : memref<16x128xf32, #tpu.memory_space<vmem>>) target(%dma_start3A_290 : memref<16x128xf32, #tpu.memory_space<hbm>>) target_semaphore(%run_scoped3A : memref<!tpu.dma_semaphore, #tpu.memory_space<semaphore_mem>>)
        %dma_wait3A_291 = arith.constant 0 : i32
        %dma_wait3A_292 = tpu.memref_slice %arg8[%add3A_286, %dma_wait3A_291] : memref<2048x128xf32, #tpu.memory_space<hbm>> -> memref<16x128xf32, #tpu.memory_space<hbm>>
        %dma_wait3A_293 = arith.constant 0 : i32
        %dma_wait3A_294 = tpu.memref_slice %arg8[%add3A_286, %dma_wait3A_293] : memref<2048x128xf32, #tpu.memory_space<hbm>> -> memref<16x128xf32, #tpu.memory_space<hbm>>
        tpu.wait_dma2 semaphore(%run_scoped3A : memref<!tpu.dma_semaphore, #tpu.memory_space<semaphore_mem>>) src(%arg13 : memref<16x128xf32, #tpu.memory_space<vmem>>) dst(%dma_wait3A_294 : memref<16x128xf32, #tpu.memory_space<hbm>>)
        tpu.yield
      }) : () -> ()
    } else {
    }
    %dma_wait3A = arith.constant 0 : i32
    %dma_wait3A_236 = tpu.memref_slice %arg2[%mul3A_4, %dma_wait3A] : memref<2048x128xf32, #tpu.memory_space<hbm>> -> memref<64x128xf32, #tpu.memory_space<hbm>>
    %dma_wait3A_237 = arith.constant 0 : i32
    %dma_wait3A_238 = tpu.memref_slice %arg2[%mul3A_4, %dma_wait3A_237] : memref<2048x128xf32, #tpu.memory_space<hbm>> -> memref<64x128xf32, #tpu.memory_space<hbm>>
    tpu.wait_dma2 semaphore(%arg14 : memref<!tpu.dma_semaphore, #tpu.memory_space<semaphore_mem>>) src(%dma_wait3A_238 : memref<64x128xf32, #tpu.memory_space<hbm>>) dst(%arg11 : memref<64x128xf32, #tpu.memory_space<vmem>>)
    %dma_start3A_239 = arith.constant 0 : i32
    %dma_start3A_240 = arith.constant 0 : i32
    %dma_start3A_241 = tpu.memref_slice %arg7[%dma_start3A_239, %dma_start3A_240] : memref<2048x128xf32, #tpu.memory_space<hbm>> -> memref<2048x128xf32, #tpu.memory_space<hbm>>
    tpu.enqueue_indirect_dma source(%arg11 : memref<64x128xf32, #tpu.memory_space<vmem>>) target(%dma_start3A_241 : memref<2048x128xf32, #tpu.memory_space<hbm>>) offsets(%arg10 : memref<64xi32, #tpu.memory_space<vmem>>) semaphore(%arg14 : memref<!tpu.dma_semaphore, #tpu.memory_space<semaphore_mem>>)
    %dma_wait3A_242 = arith.constant 0 : i32
    %dma_wait3A_243 = tpu.memref_slice %arg3[%mul3A_4, %dma_wait3A_242] : memref<2048x128xf32, #tpu.memory_space<hbm>> -> memref<64x128xf32, #tpu.memory_space<hbm>>
    %dma_wait3A_244 = arith.constant 0 : i32
    %dma_wait3A_245 = tpu.memref_slice %arg3[%mul3A_4, %dma_wait3A_244] : memref<2048x128xf32, #tpu.memory_space<hbm>> -> memref<64x128xf32, #tpu.memory_space<hbm>>
    tpu.wait_dma2 semaphore(%arg15 : memref<!tpu.dma_semaphore, #tpu.memory_space<semaphore_mem>>) src(%dma_wait3A_245 : memref<64x128xf32, #tpu.memory_space<hbm>>) dst(%arg12 : memref<64x128xf32, #tpu.memory_space<vmem>>)
    %dma_start3A_246 = arith.constant 0 : i32
    %dma_start3A_247 = arith.constant 0 : i32
    %dma_start3A_248 = tpu.memref_slice %arg8[%dma_start3A_246, %dma_start3A_247] : memref<2048x128xf32, #tpu.memory_space<hbm>> -> memref<2048x128xf32, #tpu.memory_space<hbm>>
    tpu.enqueue_indirect_dma source(%arg12 : memref<64x128xf32, #tpu.memory_space<vmem>>) target(%dma_start3A_248 : memref<2048x128xf32, #tpu.memory_space<hbm>>) offsets(%arg10 : memref<64xi32, #tpu.memory_space<vmem>>) semaphore(%arg15 : memref<!tpu.dma_semaphore, #tpu.memory_space<semaphore_mem>>)
    %dma_wait3A_249 = arith.constant 0 : i32
    %dma_wait3A_250 = arith.constant 0 : i32
    %dma_wait3A_251 = tpu.memref_slice %arg7[%dma_wait3A_249, %dma_wait3A_250] : memref<2048x128xf32, #tpu.memory_space<hbm>> -> memref<2048x128xf32, #tpu.memory_space<hbm>>
    tpu.wait_indirect_dma semaphore(%arg14 : memref<!tpu.dma_semaphore, #tpu.memory_space<semaphore_mem>>) src(%arg11 : memref<64x128xf32, #tpu.memory_space<vmem>>) dst(%dma_wait3A_251 : memref<2048x128xf32, #tpu.memory_space<hbm>>)
    %dma_wait3A_252 = arith.constant 0 : i32
    %dma_wait3A_253 = arith.constant 0 : i32
    %dma_wait3A_254 = tpu.memref_slice %arg8[%dma_wait3A_252, %dma_wait3A_253] : memref<2048x128xf32, #tpu.memory_space<hbm>> -> memref<2048x128xf32, #tpu.memory_space<hbm>>
    tpu.wait_indirect_dma semaphore(%arg15 : memref<!tpu.dma_semaphore, #tpu.memory_space<semaphore_mem>>) src(%arg12 : memref<64x128xf32, #tpu.memory_space<vmem>>) dst(%dma_wait3A_254 : memref<2048x128xf32, #tpu.memory_space<hbm>>)
    return
  }
}

</mosaic_0001>

<sc_bundles>
// kernel: kernel.3.cloned.1.call-start
scs
__scs_entry_jumppad:
0x0: {  	(pc) =	sbr.rel $0x88, $3  }
0x1: {  	(tag) =	ssettag $0x0;
	lr =	simm.s32 $0x1  }
0x2: {  	[smem:$0x3F9C] =	sst lr;
	_ =	strace $0xD0000000  }
0x3: {  	_ = 	snop  }
0x4: {  	_ = 	snop  }
0x5: {  	_ = 	snop  }
0x6: {  	_ = 	snop  }
0x7: {  	_ = 	snop  }
__scs_overlays_trampoline_lowered:
0x8: {  	[smem:$0x3FAB] =	sst s0  }
0x9: {  	[smem:$0x3FAC] =	sst s1  }
0xa: {  	[smem:$0x3FAD] =	sst s2  }
0xb: {  	[smem:$0x3FAE] =	sst s3  }
0xc: {  	[smem:$0x3FAF] =	sst s4  }
0xd: {  	[smem:$0x3FB0] =	sst s5  }
0xe: {  	[smem:$0x3FB1] =	sst s6  }
0xf: {  	[smem:$0x3FB2] =	sst s7  }
0x10: {  	[smem:$0x3FB3] =	sst s8  }
0x11: {  	[smem:$0x3FB4] =	sst s9;
	s0 =	simm.s32 @!p0 $0x0  }
0x12: {  	s1 =	sld [smem:$0x3F9A];
	s0 =	simm.s32 @p0 $0x1  }
0x13: {  	[smem:$0x3FB5] =	sst s0;
	s0 =	simm.s32 @!p1 $0x0  }
0x14: {  	s2 =	sld [smem:$0x3F99];
	s0 =	simm.s32 @p1 $0x1  }
0x15: {  	[smem:$0x3FB6] =	sst s0;
	s0 =	simm.s32 @!p2 $0x0  }
0x16: {  	s3 =	sld [smem:$0x3FDB];
	s0 =	simm.s32 @p2 $0x1  }
0x17: {  	s4 =	simm.s32 $0x1BF5;
	[smem:$0x3FB8] =	sst s0  }
0x18: {  	s0 =	sld [smem:$0x3F9B];
	_ =	swait.ge [sflag:s4], $0x0  }
0x19: {  	s7 =	sld [smem:$0x3F9C]  }
0x1a: {  	s8 =	sadd.s32 $0xFFFFE003, lr  }
0x1b: {  	s9 =	sadd.s32 $0xFFFFFEF7, lr;
	s5 =	simm.s32 $0xFFFFFFFF;
	p2 =	slt.u32 s8, $0xFFFFF086  }
0x1c: {  	p1 =	slt.u32 s9, $0xF7A;
	s5 =	simm.s32 @!p2 $0x0  }
0x1d: {  	s5 =	simm.s32 @p1 $0x1;
	p0 =	seq.s32 s7, s2  }
0x1e: {  	s7 =	smul.u32 @!p0 $0xF7A, s2;
	p2 =	seq.s32 @!p0 s5, $0x0  }
0x1f: {  	s9 =	smul.u32 $0xF7A, s1;
	s8 =	simm.s32 @!p0 $0x1BF5;
	p2 =	por !p2, p0  }
0x20: {  	[sflag:s8] =	ssyncset.s32 @!p0 $0xFFFFF086;
	s6 =	sadd.s32 @!p0 s3, s7;
	s7 =	simm.s32 @!p0 $0x108  }
0x21: {  	s3 =	sadd.s32 s3, s9;
	s6 =	sadd.s32 @!p0 $0x88, s6;
	s7 =	simm.s32 @p2 $0x1082  }
0x22: {  	[simem:s7], [sflag:s8] =	dma.local @!p0 [hbm:s6], $0xF7A  }
0x23: {  	s9 =	sor.u32 $0xD0000000, s2;
	s6 =	simm.s32 $0x108;
	_ =	swait.ge @!p0 [sflag:s8], $0x0  }
0x24: {  	s3 =	sadd.s32 $0x88, s3;
	s6 =	simm.s32 @!p1 $0x1082;
	[sflag:s4] =	ssyncset.s32 $0xFFFFF086  }
0x25: {  	[simem:s6], [sflag:s4] =	dma.local [hbm:s3], $0xF7A  }
0x26: {  	[smem:$0x3F9C] =	sst s1;
	(tag) =	ssettag s2;
	_ =	strace s9  }
0x27: {  	s1 =	sld [smem:$0x3FAC]  }
0x28: {  	s2 =	sld [smem:$0x3FAD]  }
0x29: {  	s4 =	sld [smem:$0x3FAF]  }
0x2a: {  	p0 =	seq.s32 s5, $0x0;
	s5 =	sld [smem:$0x3FB0]  }
0x2b: {  	s6 =	sld [smem:$0x3FB1]  }
0x2c: {  	s7 =	sld [smem:$0x3FB2]  }
0x2d: {  	s3 =	simm.s32 $0x108;
	s8 =	sld [smem:$0x3FB3]  }
0x2e: {  	s3 =	simm.s32 @!p0 $0x1082;
	s9 =	sld [smem:$0x3FB4]  }
0x2f: {  	lr =	sadd.s32 s0, s3;
	s0 =	sld [smem:$0x3FAB]  }
0x30: {  	s3 =	sld [smem:$0x3FAE]  }
0x31: {  	[smem:$0x3FB7] =	sst s10  }
0x32: {  	s10 =	sld [smem:$0x3FB5];
	_ =	sdelay $0x3  }
0x33: {  	p0 =	seq.s32 s10, $0x1;
	s10 =	sld [smem:$0x3FB7];
	_ =	sdelay $0x3  }
0x34: {  	[smem:$0x3FB7] =	sst s10  }
0x35: {  	s10 =	sld [smem:$0x3FB6];
	_ =	sdelay $0x3  }
0x36: {  	p1 =	seq.s32 s10, $0x1;
	s10 =	sld [smem:$0x3FB7];
	_ =	sdelay $0x3  }
0x37: {  	[smem:$0x3FB7] =	sst s10  }
0x38: {  	s10 =	sld [smem:$0x3FB8]  }
0x39: {  	_ = 	snop;
	(pc) =	sbr.ind lr, $3  }
0x3a: {  	_ = 	snop  }
0x3b: {  	_ = 	snop  }
0x3c: {  	p2 =	seq.s32 s10, $0x1;
	s10 =	sld [smem:$0x3FB7]  }
0x3d: {  	_ =	shalt  }
0x3e: {  	_ =	shalt  }
0x3f: {  	_ =	shalt  }
0x40: {  	_ =	shalt  }
0x41: {  	_ =	shalt  }
0x42: {  	_ =	shalt  }
0x43: {  	_ =	shalt  }
0x44: {  	_ =	shalt  }
0x45: {  	_ =	shalt  }
0x46: {  	_ =	shalt  }
0x47: {  	_ =	shalt  }
0x48: {  	_ =	shalt  }
0x49: {  	_ =	shalt  }
0x4a: {  	_ =	shalt  }
0x4b: {  	_ =	shalt  }
0x4c: {  	_ =	shalt  }
0x4d: {  	_ =	shalt  }
0x4e: {  	_ =	shalt  }
0x4f: {  	_ =	shalt  }
0x50: {  	_ =	shalt  }
0x51: {  	_ =	shalt  }
0x52: {  	_ =	shalt  }
0x53: {  	_ =	shalt  }
0x54: {  	_ =	shalt  }
0x55: {  	_ =	shalt  }
0x56: {  	_ =	shalt  }
0x57: {  	_ =	shalt  }
0x58: {  	_ =	shalt  }
0x59: {  	_ =	shalt  }
0x5a: {  	_ =	shalt  }
0x5b: {  	_ =	shalt  }
0x5c: {  	_ =	shalt  }
0x5d: {  	_ =	shalt  }
0x5e: {  	_ =	shalt  }
0x5f: {  	_ =	shalt  }
0x60: {  	_ =	shalt  }
0x61: {  	_ =	shalt  }
0x62: {  	_ =	shalt  }
0x63: {  	_ =	shalt  }
0x64: {  	_ =	shalt  }
0x65: {  	_ =	shalt  }
0x66: {  	_ =	shalt  }
0x67: {  	_ =	shalt  }
0x68: {  	_ =	shalt  }
0x69: {  	_ =	shalt  }
0x6a: {  	_ =	shalt  }
0x6b: {  	_ =	shalt  }
0x6c: {  	_ =	shalt  }
0x6d: {  	_ =	shalt  }
0x6e: {  	_ =	shalt  }
0x6f: {  	_ =	shalt  }
0x70: {  	_ =	shalt  }
0x71: {  	_ =	shalt  }
0x72: {  	_ =	shalt  }
0x73: {  	_ =	shalt  }
0x74: {  	_ =	shalt  }
0x75: {  	_ =	shalt  }
0x76: {  	_ =	shalt  }
0x77: {  	_ =	shalt  }
0x78: {  	_ =	shalt  }
0x79: {  	_ =	shalt  }
0x7a: {  	_ =	shalt  }
0x7b: {  	_ =	shalt  }
0x7c: {  	_ =	shalt  }
0x7d: {  	_ =	shalt  }
0x7e: {  	_ =	shalt  }
0x7f: {  	_ =	shalt  }
0x80: {  	_ =	shalt  }
0x81: {  	_ =	shalt  }
0x82: {  	_ =	shalt  }
0x83: {  	_ =	shalt  }
0x84: {  	_ =	shalt  }
0x85: {  	_ =	shalt  }
0x86: {  	_ =	shalt  }
0x87: {  	_ =	shalt  }
.Lfunc_end0:
.L_simem_size_0:
called_computation_lowered:
.L_overlay_start_0:
0x88: {  	s2 =	sld [smem:$0x3FD9]  }
0x89: {  	s3 =	sld [smem:$0x3FFE];
	_ =	sdelay $0x1  }
0x8a: {  	s1 =	srdreg.scid  }
0x8b: {  	s0 =	sand.u32 $0x1, s1  }
0x8c: {  	s15 =	sshll.u32 s0, $0xA;
	s2 =	sadd.s32 s3, s2  }
0x8d: {  	s2 =	sadd.s32 s2, s15  }
0x8e: {  	[smem:$0x3FC3] =	sst s2  }
0x8f: {  	_ = 	snop  }
0x90: {  	s2 =	sld [smem:$0x3FC9]  }
0x91: {  	s16 =	sld [smem:$0x3FC8]  }
0x92: {  	s4 =	sld [smem:$0x3FD0]  }
0x93: {  	s5 =	sld [smem:$0x3FC7]  }
0x94: {  	s6 =	sld [smem:$0x3FC6]  }
0x95: {  	s8 =	simm.s32 $0xA;
	s9 =	simm.s32 $0x10;
	s7 =	sld [smem:$0x3FC5]  }
0x96: {  	[smem:s9], [sflag:s8] =	dma.local [hbm:s4], $0x1  }
0x97: {  	_ =	swait.eq [sflag:s8], $0x1  }
0x98: {  	[sflag:s8] =	ssyncset.done $0x0  }
0x99: {  	s17 =	sld [smem:$0x10];
	[sflag:s8] =	ssyncadd.s32 $0xFFFFFFFF  }
0x9a: {  	s18 =	sld [smem:$0x11];
	(tm) =	ssettm $0x1  }
0x9b: {  	s19 =	sld [smem:$0x3FFB];
	_ =	sdelay $0x3  }
0x9c: {  	_ =	strace s19  }
0x9d: {  	s9 =	sld [smem:$0x3FFC];
	_ =	sdelay $0x3  }
0x9e: {  	_ =	strace s9  }
0x9f: {  	s9 =	sld [smem:$0x3FFD];
	_ =	sdelay $0x3  }
0xa0: {  	_ =	strace s9  }
0xa1: {  	_ =	strace $0x8FFFFFFF  }
0xa2: {  	s20 =	sld [smem:$0x3FDB];
	_ =	sdelay $0x1  }
0xa3: {  	s10 =	simm.s32 $_scs_section_size  }
0xa4: {  	s11 =	simm.s32 $_size__tile_overlayer_lowered;
	s12 =	simm.s32 $_tile_overlayer_lowered  }
0xa5: {  	s23 =	simm.s32 $0x1BFF;
	s22 =	sshll.u32 s12, $0x1;
	s9 =	sadd.s32 s10, s20  }
0xa6: {  	s13 =	simm.s32 $0x0;
	s21 =	sshll.u32 s11, $0x1;
	s11 =	sadd.s32 s22, s9  }
0xa7: {  	[timem:s13], [sflag:s23] =	dma.local [hbm:s11], s21  }
0xa8: {  	_ =	swait.ge [sflag:s23], s21  }
0xa9: {  	s10 =	ssub.s32 $0x0, s21;
	[sflag:s23] =	ssyncset.done $0x0  }
0xaa: {  	[sflag:s23] =	ssyncadd.s32 s10;
	_ =	sdelay $0x1  }
0xab: {  	s24 =	simm.s32 $0x1B8B  }
0xac: {  	_ =	swait.ge [sflag:s24], $0x1  }
0xad: {  	[sflag:s24] =	ssyncset.done $0x0  }
0xae: {  	s25 =	simm.s32 $0x1B8E;
	[sflag:s24] =	ssyncadd.s32 $0xFFFFFFFF  }
0xaf: {  	s26 =	simm.s32 $execute0_lowered;
	[smem:$0x3FD2] =	sst s25  }
0xb0: {  	s10 =	sshll.u32 s26, $0x1;
	_ =	strace $0x80000046;
	[dreg:$0x1] =	wrdreg $0xFFFFFFFF  }
0xb1: {  	s28 =	simm.s32 $_size_execute0_lowered;
	s9 =	sadd.s32 s9, s10;
	[dreg:$0x0] =	wrdreg $0x0  }
0xb2: {  	s10 =	sshll.u32 s28, $0x1;
	[dreg:$0x2] =	wrdreg s9  }
0xb3: {  	[dreg:$0x3] =	wrdreg s10  }
0xb4: {  	[dreg:$0x4] =	wrdreg $0xC0  }
0xb5: {  	_ =	task [dreg:s13], $0x5FFFF  }
0xb6: {  	[dreg:$0x1] =	wrdreg $0xFFFFFFFF  }
0xb7: {  	[dreg:$0x0] =	wrdreg $0x60  }
0xb8: {  	[dreg:$0x2] =	wrdreg s2  }
0xb9: {  	[dreg:$0x3] =	wrdreg s16  }
0xba: {  	[dreg:$0x4] =	wrdreg s5  }
0xbb: {  	[dreg:$0x5] =	wrdreg s6  }
0xbc: {  	[dreg:$0x6] =	wrdreg s7  }
0xbd: {  	[dreg:$0x7] =	wrdreg s17  }
0xbe: {  	[dreg:$0x8] =	wrdreg s18  }
0xbf: {  	[dreg:$0x9] =	wrdreg $0x9  }
0xc0: {  	_ =	task.clear_ibuf [dreg:s13], $0xAFFFF;
	_ =	strace $0x90000046  }
0xc1: {  	s29 =	simm.s32 $0x9;
	_ =	strace $0x80000048  }
0xc2: {  	_ =	swait.ge [sflag:s29], $0x1  }
0xc3: {  	[sflag:s29] =	ssyncadd.s32 $0xFFFFFFFF  }
0xc4: {  	_ =	strace $0x90000048  }
0xc5: {  	_ =	sfence  }
0xc6: {  	s30 =	sld [smem:$0x0];
	_ =	sdelay $0x2  }
0xc7: {  	s31 =	sshll.u32 s1, $0xD;
	s1 =	sshrl.u32 s1, $0x2  }
0xc8: {  	s3 =	sand.u32 $0x4000, s31;
	s1 =	sadd.s32 s1, s30  }
0xc9: {  	s0 =	sor.u32 s3, s0;
	s1 =	sshll.u32 s1, $0x11  }
0xca: {  	s0 =	sor.u32 s1, s0  }
0xcb: {  	s0 =	sadd.s32 $0x8F2B, s0  }
0xcc: {  	[sflag:s0] =	ssyncadd.remote.s32 $0x1  }
0xcd: {  	_ =	sfence.sel $0xFFFF  }
0xce: {  	[dreg:$0x0] =	wrdreg $0xFFFFFFFF;
	(pc) =	sbr.abs _section_cstart, $3  }
0xcf: {  	[dreg:$0x1] =	wrdreg $0xFFFFFFFF  }
0xd0: {  	_ =	task.clear_ibuf [dreg:s13], $0x2FFFF;
	_ =	strace $0x9FFFFFFF  }
0xd1: {  	(tm) =	ssettm $0x7FFFFFFF  }
tec
execute0_lowered:
.L_overlay_start_1:
0x0: {  	(tag) =	ssettag $0x1  }
0x1: {  	s0 =	rddreg [dreg:$0x0]  }
0x2: {  	s2 =	rddreg [dreg:$0x1]  }
0x3: {  	s17 =	rddreg [dreg:$0x3]  }
0x4: {  	s18 =	rddreg [dreg:$0x4]  }
0x5: {  	s3 =	rddreg [dreg:$0x5]  }
0x6: {  	s4 =	rddreg [dreg:$0x6]  }
0x7: {  	s6 =	srdreg.scid;
	s1 =	stileid.u32;
	s5 =	simm.s32 $0x0  }
0x8: {  	s29 =	simm.s32 $0x1;
	s30 =	simm.s32 $0x40;
	s6 =	sand.u32 $0x1, s6  }
0x9: {  	s7 =	sshll.u32 s1, $0x1;
	[smem:$0x7FF] =	sst s5;
	s8 =	ssub.s32 $0x2, s6  }
0xa: {  	s9 =	sor.u32 s6, s7;
	_ =	strace $0x80000047;
	s21 =	sshrl.u32 s8, $0x1  }
0xb: {  	s11 =	sshll.u32 s9, $0xA;
	s28 =	sshll.u32 s9, $0x6;
	s22 =	sshll.u32 s9, $0x12  }
0xc: {  	s9 =	smov.u32 s3;
	s24 =	ssub.s32 s8, s21;
	s6 =	sadd.s32 s0, s11  }
0xd: {  	s7 =	sadd.s32 s2, s11;
	s8 =	sor.u32 $0x10, s28;
	s31 =	sor.u32 $0x20, s28  }
0xe: {  	s0 =	sor.u32 $0x30, s28;
	s23 =	sadd.s32 s17, s22;
	s25 =	sadd.s32 s3, s11  }
0xf: {  	s10 =	sadd.s32 s18, s22;
	s14 =	sor.u32 $0x10000, s22;
	s11 =	sadd.s32 s4, s11  }
0x10: {  	s16 =	sor.u32 $0x20000, s22;
	s2 =	sor.u32 $0x30000, s22;
	[dreg:$0x8] =	wrdreg s23  }
0x11: {  	v0 =	vmov s28;
	s28 =	simm.s32 $0x3;
	[dreg:$0x9] =	wrdreg s25;
	s12 =	sadd.s32 s17, s14  }
0x12: {  	s19 =	sshll.u32 s8, $0x4;
	s14 =	sadd.s32 s18, s14;
	s15 =	sadd.s32 s17, s16  }
0x13: {  	s16 =	sadd.s32 s18, s16;
	s17 =	sadd.s32 s17, s2;
	s18 =	sadd.s32 s18, s2  }
.Ltmp0:
0x14: {  	s26 =	sshll.u32 s31, $0x4;
	s23 =	sshll.u32 s0, $0x4;
	(pc) =	sbr.rel .LBB2_1-.Ltmp0, $4  }
0x15: {  	s24 =	smax.u32 s24, $0x1;
	s25 =	simm.s32 $0x100;
	v2 =	vmov s31;
	s31 =	simm.s32 $0x80  }
0x16: {  	v3 =	vmov s0;
	s0 =	simm.s32 $0x2;
	s2 =	simm.s32 $0x4100;
	s13 =	sadd.s32 s3, s19  }
0x17: {  	s19 =	sadd.s32 s4, s19;
	s20 =	sadd.s32 s3, s26;
	s21 =	sadd.s32 s4, s26  }
0x18: {  	v1 =	vmov s8;
	s22 =	sadd.s32 s3, s23;
	s23 =	sadd.s32 s4, s23;
	s26 =	simm.s32 $0x2100  }
.LBB2_3:
0x19: {  	_ =	swait.ge [sflag:s29], $0x2000  }
0x1a: {  	[sflag:s29] =	ssyncset.done $0x0  }
0x1b: {  	[sflag:s29] =	ssyncadd.s32 $0xFFFFE000  }
0x1c: {  	[hbm4b:s9+s30] =	stream.indirect.scatter [tilespmem:s25], [sflag:$0x1], $0x80, s31, s30, $0xb8;
	[tilespmem:$0x4900] =	vst v63  }
0x1d: {  	_ =	swait.ge [sflag:s0], $0x2000  }
0x1e: {  	[sflag:s0] =	ssyncset.done $0x0  }
0x1f: {  	s24 =	sadd.s32 $0xFFFFFFFF, s24;
	[sflag:s0] =	ssyncadd.s32 $0xFFFFE000  }
0x20: {  	[hbm4b:s4+s30] =	stream.indirect.scatter [tilespmem:s26], [sflag:$0x2], $0x80, s31, s30, $0xb8;
	[tilespmem:$0x4900] =	vst v63  }
0x21: {  	p0 =	sne.s32 s24, $0x0;
	_ =	swait.ge [sflag:s29], $0x2000  }
.Ltmp1:
0x22: {  	[sflag:s29] =	ssyncset.done $0x0;
	(pc) =	sbr.rel @!p0 .LBB2_4-.Ltmp1, $4  }
0x23: {  	[sflag:s29] =	ssyncadd.s32 $0xFFFFE000  }
0x24: {  	_ =	swait.ge [sflag:s0], $0x2000  }
0x25: {  	[sflag:s0] =	ssyncset.done $0x0  }
0x26: {  	[sflag:s0] =	ssyncadd.s32 $0xFFFFE000  }
.LBB2_1:
0x27: {  	[tilespmem:s25], [sflag:$0x1] =	stream.linear.gather [hbm4b:s6+s5], $0x2000, $0x38;
	[tilespmem:$0x4900] =	vst v63  }
0x28: {  	_ = 	snop  }
0x29: {  	[tilespmem:s26], [sflag:$0x2] =	stream.linear.gather [hbm4b:s7+s5], $0x2000, $0x38;
	[tilespmem:$0x4900] =	vst v63  }
0x2a: {  	s1 =	rddreg [dreg:$0x2]  }
0x2b: {  	[tilespmem:s5], [sflag:$0x3] =	stream.linear.gather [hbm4b:s1+s5], $0x80, $0x38;
	[tilespmem:$0x4900] =	vst v63  }
0x2c: {  	_ =	swait.ge [sflag:s28], $0x80  }
0x2d: {  	[sflag:s28] =	ssyncset.done $0x0  }
0x2e: {  	[sflag:s28] =	ssyncadd.s32 $0xFFFFFF80  }
0x2f: {  	v4 =	vld [tilespmem:$0x0];
	_ =	sdelay $0x4  }
0x30: {  	(v2sf) =	vpush v4, $0x0  }
0x31: {  	(v2sf) =	vpush v4, $0x1  }
0x32: {  	(v2sf) =	vpush v4, $0x2;
	_ =	sdelay $0x1  }
0x33: {  	(v2sf) =	vpush v4, $0x3;
	_ =	sdelay $0x2  }
0x34: {  	(v2sf) =	vpush v4, $0x4  }
0x35: {  	(v2sf) =	vpush v4, $0x5;
	_ =	sdelay $0x2  }
0x36: {  	(v2sf) =	vpush v4, $0x6  }
0x37: {  	(v2sf) =	vpush v4, $0x7;
	_ =	sdelay $0x2  }
0x38: {  	s3 =	spop (v2sf);
	(v2sf) =	vpush v4, $0x8  }
0x39: {  	p0 =	slt.u32 s3, $0x10;
	s8 =	spop (v2sf);
	s1 =	sshll.u32 s29, s3;
	(v2sf) =	vpush v4, $0x9  }
0x3a: {  	p1 =	slt.u32 s8, $0x10;
	s8 =	sshll.u32 s29, s8;
	s3 =	spop (v2sf)  }
0x3b: {  	s1 =	simm.s32 @!p0 $0x0;
	s8 =	simm.s32 @!p1 $0x0;
	p0 =	slt.u32 s3, $0x10  }
0x3c: {  	(v2sf) =	vpush v4, $0xA;
	s1 =	sor.u32 s8, s1;
	s8 =	sshll.u32 s29, s3;
	s3 =	spop (v2sf)  }
0x3d: {  	(v2sf) =	vpush v4, $0xB;
	s8 =	simm.s32 @!p0 $0x0;
	p0 =	slt.u32 s3, $0x10;
	s3 =	sshll.u32 s29, s3  }
0x3e: {  	s1 =	sor.u32 s8, s1;
	s3 =	simm.s32 @!p0 $0x0  }
0x3f: {  	s8 =	spop (v2sf);
	s1 =	sor.u32 s3, s1  }
0x40: {  	(v2sf) =	vpush v4, $0xC;
	p0 =	slt.u32 s8, $0x10;
	s3 =	sshll.u32 s29, s8;
	s8 =	spop (v2sf)  }
0x41: {  	(v2sf) =	vpush v4, $0xD;
	s3 =	simm.s32 @!p0 $0x0;
	p0 =	slt.u32 s8, $0x10;
	s8 =	sshll.u32 s29, s8  }
0x42: {  	s1 =	sor.u32 s3, s1;
	s8 =	simm.s32 @!p0 $0x0  }
0x43: {  	s1 =	sor.u32 s8, s1;
	s8 =	spop (v2sf)  }
0x44: {  	(v2sf) =	vpush v4, $0xE;
	p0 =	slt.u32 s8, $0x10;
	s3 =	sshll.u32 s29, s8;
	s8 =	spop (v2sf)  }
0x45: {  	(v2sf) =	vpush v4, $0xF;
	s3 =	simm.s32 @!p0 $0x0;
	p0 =	slt.u32 s8, $0x10;
	s8 =	sshll.u32 s29, s8  }
0x46: {  	s1 =	sor.u32 s3, s1;
	s8 =	simm.s32 @!p0 $0x0  }
0x47: {  	s1 =	sor.u32 s8, s1;
	s3 =	spop (v2sf)  }
0x48: {  	s8 =	spop (v2sf);
	p0 =	slt.u32 s3, $0x10;
	s3 =	sshll.u32 s29, s3  }
0x49: {  	s3 =	simm.s32 @!p0 $0x0;
	p0 =	slt.u32 s8, $0x10;
	s8 =	sshll.u32 s29, s8  }
0x4a: {  	s1 =	sor.u32 s3, s1;
	s8 =	simm.s32 @!p0 $0x0  }
0x4b: {  	s3 =	spop (v2sf);
	s1 =	sor.u32 s8, s1  }
0x4c: {  	s8 =	spop (v2sf);
	p0 =	slt.u32 s3, $0x10;
	s3 =	sshll.u32 s29, s3  }
0x4d: {  	s3 =	simm.s32 @!p0 $0x0;
	p0 =	slt.u32 s8, $0x10;
	s8 =	sshll.u32 s29, s8  }
0x4e: {  	s1 =	sor.u32 s3, s1;
	s8 =	simm.s32 @!p0 $0x0  }
0x4f: {  	s3 =	spop (v2sf);
	s1 =	sor.u32 s8, s1  }
0x50: {  	s8 =	spop (v2sf);
	p0 =	slt.u32 s3, $0x10;
	s3 =	sshll.u32 s29, s3  }
0x51: {  	s3 =	simm.s32 @!p0 $0x0;
	p0 =	slt.u32 s8, $0x10;
	s8 =	sshll.u32 s29, s8  }
0x52: {  	s1 =	sor.u32 s3, s1;
	s8 =	simm.s32 @!p0 $0x0  }
0x53: {  	s3 =	spop (v2sf);
	s1 =	sor.u32 s8, s1  }
0x54: {  	p0 =	slt.u32 s3, $0x10;
	s3 =	sshll.u32 s29, s3;
	s8 =	spop (v2sf)  }
0x55: {  	s3 =	simm.s32 @!p0 $0x0;
	p0 =	slt.u32 s8, $0x10;
	s8 =	sshll.u32 s29, s8  }
0x56: {  	vm0 =	vgt.s32 v4, $0x0;
	s1 =	sor.u32 s3, s1;
	s8 =	simm.s32 @!p0 $0x0  }
0x57: {  	v4 =	vnsel vm0, $0x0, v4;
	s1 =	sor.u32 s8, s1  }
0x58: {  	v4 =	vmin.u32 v4, $0xF;
	p0 =	seq.s32 s1, $0xFFFF  }
.Ltmp2:
0x59: {  	v5 =	vor.u32 v0, v4;
	(pc) =	sbr.rel @p0 .LBB2_3-.Ltmp2, $4  }
0x5a: {  	[tilespmem:$0x80] =	vst v5;
	v5 =	vor.u32 v1, v4  }
0x5b: {  	[tilespmem:$0x90] =	vst v5;
	v5 =	vor.u32 v2, v4  }
0x5c: {  	v4 =	vor.u32 v3, v4;
	[tilespmem:$0xA0] =	vst v5  }
0x5d: {  	[tilespmem:$0xB0] =	vst v4  }
0x5e: {  	s1 =	rddreg [dreg:$0x8]  }
0x5f: {  	[tilespmem:s2], [sflag:$0x3] =	stream.linear.gather [hbm4b:s1+s5], $0x800, $0x38;
	[tilespmem:$0x4900] =	vst v63  }
0x60: {  	_ =	swait.ge [sflag:s28], $0x800  }
0x61: {  	[sflag:s28] =	ssyncset.done $0x0  }
0x62: {  	s8 =	rddreg [dreg:$0x9];
	[sflag:s28] =	ssyncadd.s32 $0xFFFFF800  }
0x63: {  	[hbm4b:s8+s5] =	stream.linear.scatter [tilespmem:s2], [sflag:$0x3], $0x800, $0x38;
	[tilespmem:$0x4900] =	vst v63  }
0x64: {  	_ =	swait.ge [sflag:s28], $0x800  }
0x65: {  	[sflag:s28] =	ssyncset.done $0x0  }
0x66: {  	[sflag:s28] =	ssyncadd.s32 $0xFFFFF800  }
0x67: {  	[tilespmem:s2], [sflag:$0x3] =	stream.linear.gather [hbm4b:s10+s5], $0x800, $0x38;
	[tilespmem:$0x4900] =	vst v63  }
0x68: {  	_ =	swait.ge [sflag:s28], $0x800  }
0x69: {  	[sflag:s28] =	ssyncset.done $0x0  }
0x6a: {  	[sflag:s28] =	ssyncadd.s32 $0xFFFFF800  }
0x6b: {  	[hbm4b:s11+s5] =	stream.linear.scatter [tilespmem:s2], [sflag:$0x3], $0x800, $0x38;
	[tilespmem:$0x4900] =	vst v63  }
0x6c: {  	_ =	swait.ge [sflag:s28], $0x800  }
0x6d: {  	[sflag:s28] =	ssyncset.done $0x0  }
0x6e: {  	[sflag:s28] =	ssyncadd.s32 $0xFFFFF800  }
0x6f: {  	[tilespmem:s2], [sflag:$0x3] =	stream.linear.gather [hbm4b:s12+s5], $0x800, $0x38;
	[tilespmem:$0x4900] =	vst v63  }
0x70: {  	_ =	swait.ge [sflag:s28], $0x800  }
0x71: {  	[sflag:s28] =	ssyncset.done $0x0  }
0x72: {  	[sflag:s28] =	ssyncadd.s32 $0xFFFFF800  }
0x73: {  	[hbm4b:s13+s5] =	stream.linear.scatter [tilespmem:s2], [sflag:$0x3], $0x800, $0x38;
	[tilespmem:$0x4900] =	vst v63  }
0x74: {  	_ =	swait.ge [sflag:s28], $0x800  }
0x75: {  	[sflag:s28] =	ssyncset.done $0x0  }
0x76: {  	[sflag:s28] =	ssyncadd.s32 $0xFFFFF800  }
0x77: {  	[tilespmem:s2], [sflag:$0x3] =	stream.linear.gather [hbm4b:s14+s5], $0x800, $0x38;
	[tilespmem:$0x4900] =	vst v63  }
0x78: {  	_ =	swait.ge [sflag:s28], $0x800  }
0x79: {  	[sflag:s28] =	ssyncset.done $0x0  }
0x7a: {  	[sflag:s28] =	ssyncadd.s32 $0xFFFFF800  }
0x7b: {  	[hbm4b:s19+s5] =	stream.linear.scatter [tilespmem:s2], [sflag:$0x3], $0x800, $0x38;
	[tilespmem:$0x4900] =	vst v63  }
0x7c: {  	_ =	swait.ge [sflag:s28], $0x800  }
0x7d: {  	[sflag:s28] =	ssyncset.done $0x0  }
0x7e: {  	[sflag:s28] =	ssyncadd.s32 $0xFFFFF800  }
0x7f: {  	[tilespmem:s2], [sflag:$0x3] =	stream.linear.gather [hbm4b:s15+s5], $0x800, $0x38;
	[tilespmem:$0x4900] =	vst v63  }
0x80: {  	_ =	swait.ge [sflag:s28], $0x800  }
0x81: {  	[sflag:s28] =	ssyncset.done $0x0  }
0x82: {  	[sflag:s28] =	ssyncadd.s32 $0xFFFFF800  }
0x83: {  	[hbm4b:s20+s5] =	stream.linear.scatter [tilespmem:s2], [sflag:$0x3], $0x800, $0x38;
	[tilespmem:$0x4900] =	vst v63  }
0x84: {  	_ =	swait.ge [sflag:s28], $0x800  }
0x85: {  	[sflag:s28] =	ssyncset.done $0x0  }
0x86: {  	[sflag:s28] =	ssyncadd.s32 $0xFFFFF800  }
0x87: {  	[tilespmem:s2], [sflag:$0x3] =	stream.linear.gather [hbm4b:s16+s5], $0x800, $0x38;
	[tilespmem:$0x4900] =	vst v63  }
0x88: {  	_ =	swait.ge [sflag:s28], $0x800  }
0x89: {  	[sflag:s28] =	ssyncset.done $0x0  }
0x8a: {  	[sflag:s28] =	ssyncadd.s32 $0xFFFFF800  }
0x8b: {  	[hbm4b:s21+s5] =	stream.linear.scatter [tilespmem:s2], [sflag:$0x3], $0x800, $0x38;
	[tilespmem:$0x4900] =	vst v63  }
0x8c: {  	_ =	swait.ge [sflag:s28], $0x800  }
0x8d: {  	[sflag:s28] =	ssyncset.done $0x0  }
0x8e: {  	[sflag:s28] =	ssyncadd.s32 $0xFFFFF800  }
0x8f: {  	[tilespmem:s2], [sflag:$0x3] =	stream.linear.gather [hbm4b:s17+s5], $0x800, $0x38;
	[tilespmem:$0x4900] =	vst v63  }
0x90: {  	_ =	swait.ge [sflag:s28], $0x800  }
0x91: {  	[sflag:s28] =	ssyncset.done $0x0  }
0x92: {  	[sflag:s28] =	ssyncadd.s32 $0xFFFFF800  }
0x93: {  	[hbm4b:s22+s5] =	stream.linear.scatter [tilespmem:s2], [sflag:$0x3], $0x800, $0x38;
	[tilespmem:$0x4900] =	vst v63  }
0x94: {  	_ =	swait.ge [sflag:s28], $0x800  }
0x95: {  	[sflag:s28] =	ssyncset.done $0x0  }
0x96: {  	[sflag:s28] =	ssyncadd.s32 $0xFFFFF800  }
0x97: {  	[tilespmem:s2], [sflag:$0x3] =	stream.linear.gather [hbm4b:s18+s5], $0x800, $0x38;
	[tilespmem:$0x4900] =	vst v63  }
0x98: {  	_ =	swait.ge [sflag:s28], $0x800  }
0x99: {  	[sflag:s28] =	ssyncset.done $0x0  }
.Ltmp3:
0x9a: {  	[sflag:s28] =	ssyncadd.s32 $0xFFFFF800;
	(pc) =	sbr.rel .LBB2_3-.Ltmp3, $4  }
0x9b: {  	[hbm4b:s23+s5] =	stream.linear.scatter [tilespmem:s2], [sflag:$0x3], $0x800, $0x38;
	[tilespmem:$0x4900] =	vst v63  }
0x9c: {  	_ =	swait.ge [sflag:s28], $0x800  }
0x9d: {  	[sflag:s28] =	ssyncset.done $0x0  }
0x9e: {  	[sflag:s28] =	ssyncadd.s32 $0xFFFFF800  }
.LBB2_4:
0x9f: {  	_ =	sfence.sel $0x180000  }
0xa0: {  	[bflag:$0x0] =	sbarrier.arrive $0xFFFF  }
0xa1: {  	_ =	strace $0x90000047  }
0xa2: {  	s0 =	stileid.u32;
	[bflag:$0x2] =	sbarrier.arrive $0xFFFF  }
0xa3: {  	p0 =	sne.s32 s0, $0x0;
	s0 =	rddreg [dreg:$0x7]  }
0xa4: {  	s0 =	sadd.s32 @!p0 $0x100000, s0  }
0xa5: {  	[sflag:s0] =	ssyncadd.tile.s32 @!p0 $0x1;
	_ =	shalt  }
.Lfunc_end2:
_tile_overlayer_lowered:
.L_overlay_start_2:
0xa6: {  	(tag) =	ssettag $0x2  }
0xa7: {  	s0 =	rddreg [dreg:$0x0];
	s2 =	stileid.u32  }
0xa8: {  	s1 =	rddreg [dreg:$0x1];
	p0 =	sne.s32 s2, $0x0  }
0xa9: {  	s3 =	rddreg [dreg:$0x2];
	[bflag:$0x3] =	sbarrier.arrive $0xFFFF;
	s2 =	simm.s32 @!p0 $0x1C03  }
0xaa: {  	[timem:s3], [sflag:s2] =	dma.local @!p0 [hbm:s0], s1  }
0xab: {  	s0 =	simm.s32 @!p0 $0x3  }
0xac: {  	_ =	swait.ge @!p0 [sflag:s0], s1  }
0xad: {  	s1 =	ssub.s32 @!p0 $0x0, s1;
	[sflag:s0] =	ssyncset.done @!p0 $0x0  }
0xae: {  	[sflag:s0] =	ssyncadd.s32 @!p0 s1  }
0xaf: {  	[bflag:$0x3] =	sbarrier.arrive $0xFFFF  }
0xb0: {  	_ =	shalt  }

</sc_bundles>
